<compile_context>
chip_gen: v7x
topology: tpu7x:2x2x1
jax: 0.10.2.dev20260603
libtpu: 0.0.44.dev20260713+nightly
codegen_flags: <defaults>
</compile_context>

<pallas_src>
import jax
import jax.numpy as jnp
from jax import lax
from jax.experimental import pallas as pl
from jax.experimental.pallas import tpu as pltpu, tpu_sc as plsc


_NC, _NS, _L = 2, 16, 16
_NW = _NC * _NS
_NR = 4


def _sc_body(x_hbm, pos_hbm, out_hbm,
             pb0, pb1, xb0, xb1, xb2, xb3,
             sp0, sp1, si0, si1, si2, si3, so0, so1, so2, so3):
    B, S, D = 4, 2048, 4096
    ch = _NR * D
    c = lax.axis_index("c")
    s = lax.axis_index("s")
    wid = s * _NC + c
    rows_per_w = S // _NW
    base_row = wid * rows_per_w
    nj = rows_per_w // _NR
    nsteps = nj * B

    xbs = [xb0, xb1, xb2, xb3]
    sis = [si0, si1, si2, si3]
    sos = [so0, so1, so2, so3]
    pbs = [pb0, pb1]
    sps = [sp0, sp1]

    def x_off(k):
        j = k // B
        b = k - j * B
        return (b * S + base_row + j * _NR) * D

    def p_off(j):
        return (base_row + j * _NR) * D

    def add_loop(xb, pb):
        @plsc.parallel_loop(0, ch, _L, unroll=8)
        def _(o):
            oa = pl.multiple_of(o, _L)
            plsc.addupdate(xb.at[pl.ds(oa, _L)], pb[pl.ds(oa, _L)])

    pltpu.async_copy(pos_hbm.at[pl.ds(p_off(0), ch)], pb0, sp0)
    pltpu.async_copy(x_hbm.at[pl.ds(x_off(0), ch)], xb0, si0)
    pltpu.async_copy(x_hbm.at[pl.ds(x_off(1), ch)], xb1, si1)

    def gg_loop(gg, _):
        for dj in range(2):
            g = 2 * gg + dj
            pltpu.make_async_copy(pos_hbm.at[pl.ds(p_off(g), ch)],
                                  pbs[dj], sps[dj]).wait()
            @pl.when(g + 1 < nj)
            def _():
                pltpu.async_copy(pos_hbm.at[pl.ds(p_off(g + 1), ch)],
                                 pbs[1 - dj], sps[1 - dj])
            for d in range(4):
                k = 4 * g + d
                dn = (d + 2) % 4
                @pl.when(k >= 2)
                def _():
                    pltpu.make_async_copy(
                        xbs[dn], out_hbm.at[pl.ds(x_off(k - 2), ch)],
                        sos[dn]).wait()
                @pl.when(k + 2 < nsteps)
                def _():
                    pltpu.async_copy(x_hbm.at[pl.ds(x_off(k + 2), ch)],
                                     xbs[dn], sis[dn])
                pltpu.make_async_copy(x_hbm.at[pl.ds(x_off(k), ch)],
                                      xbs[d], sis[d]).wait()
                pltpu.async_copy(xbs[d], out_hbm.at[pl.ds(x_off(k), ch)],
                                 sos[d])
        return 0

    lax.fori_loop(0, nj // 2, gg_loop, 0)

    pltpu.make_async_copy(xb2, out_hbm.at[pl.ds(x_off(nsteps - 2), ch)],
                          so2).wait()
    pltpu.make_async_copy(xb3, out_hbm.at[pl.ds(x_off(nsteps - 1), ch)],
                          so3).wait()


def kernel(x, pos_table):
    B, S, D = x.shape
    ch = _NR * D
    mesh = plsc.VectorSubcoreMesh(core_axis_name="c", subcore_axis_name="s")
    out_flat = pl.kernel(
        _sc_body,
        out_type=jax.ShapeDtypeStruct((B * S * D,), jnp.float32),
        mesh=mesh,
        scratch_types=(
            [pltpu.VMEM((ch,), jnp.float32) for _ in range(6)]
            + [pltpu.SemaphoreType.DMA for _ in range(10)]
        ),
    )(x.reshape(-1), pos_table.reshape(-1))
    return out_flat.reshape(B, S, D)

# --- scband reference (transcript-rebuilt; emitter-appended) ---
"""Pipeline reference for scband-learned-positional-encoding-9749575761928 (READ-ONLY COPY).

The authoritative reference and input builder live on the scoring server;
editing this copy changes nothing except your own understanding.
"""

import jax, jax.numpy as jnp
import numpy as np

D_MODEL = 4096
MAX_LEN = 2048

def setup_inputs(seed: int = 0) -> dict:
    key = jax.random.key(seed)
    k1, k2 = jax.random.split(key)
    x = jax.random.normal(k1, (4, 2048, D_MODEL), dtype=jnp.float32)
    pos_table = jax.random.normal(k2, (MAX_LEN, D_MODEL), dtype=jnp.float32) * 0.02
    return {"x": x, "pos_table": pos_table}

def reference(x, pos_table):
    seq_len = x.shape[1]
    positions = jnp.arange(seq_len)
    pos_emb = jnp.take(pos_table, positions, axis=0)  # [seq_len, d_model]
    out = x + pos_emb[None, :, :]
    # dropout p=0.0 (inference): identity
    return out

if __name__ == "__main__":
    import jax
    _d = setup_inputs()
    print(jax.jit(kernel)(*tuple(_d.values())))

</pallas_src>

<mosaic_0001>
#map = affine_map<(d0, d1) -> (0)>
module attributes {stable_mosaic.version = 14 : i64} {
  func.func @_sc_body(%arg0: i32, %arg1: i32, %arg2: memref<33554432xf32, #tpu.memory_space<hbm>>, %arg3: memref<8388608xf32, #tpu.memory_space<hbm>>, %arg4: memref<33554432xf32, #tpu.memory_space<hbm>>, %arg5: memref<16384xf32, #tpu.memory_space<vmem>>, %arg6: memref<16384xf32, #tpu.memory_space<vmem>>, %arg7: memref<16384xf32, #tpu.memory_space<vmem>>, %arg8: memref<16384xf32, #tpu.memory_space<vmem>>, %arg9: memref<16384xf32, #tpu.memory_space<vmem>>, %arg10: memref<16384xf32, #tpu.memory_space<vmem>>, %arg11: memref<!tpu.dma_semaphore, #tpu.memory_space<semaphore_mem>>, %arg12: memref<!tpu.dma_semaphore, #tpu.memory_space<semaphore_mem>>, %arg13: memref<!tpu.dma_semaphore, #tpu.memory_space<semaphore_mem>>, %arg14: memref<!tpu.dma_semaphore, #tpu.memory_space<semaphore_mem>>, %arg15: memref<!tpu.dma_semaphore, #tpu.memory_space<semaphore_mem>>, %arg16: memref<!tpu.dma_semaphore, #tpu.memory_space<semaphore_mem>>, %arg17: memref<!tpu.dma_semaphore, #tpu.memory_space<semaphore_mem>>, %arg18: memref<!tpu.dma_semaphore, #tpu.memory_space<semaphore_mem>>, %arg19: memref<!tpu.dma_semaphore, #tpu.memory_space<semaphore_mem>>, %arg20: memref<!tpu.dma_semaphore, #tpu.memory_space<semaphore_mem>>) attributes {dimension_semantics = [#tpu.dimension_semantics<core_parallel>, #tpu.dimension_semantics<subcore_parallel>], iteration_bounds = array<i64: 2, 16>, scalar_prefetch = 0 : i64, scratch_operands = 16 : i64, tpu.core_type = #tpu.core_type<sc_vector_subcore>, window_params = [{transform_indices = #map}, {transform_indices = #map}, {transform_indices = #map}]} {
    %mul3A = arith.constant 2 : i32
    %mul3A_0 = arith.muli %arg1, %mul3A : i32
    %add3A = arith.addi %mul3A_0, %arg0 : i32
    %mul3A_1 = arith.constant 64 : i32
    %mul3A_2 = arith.muli %add3A, %mul3A_1 : i32
    %add3A_3 = arith.constant 0 : i32
    %add3A_4 = arith.addi %mul3A_2, %add3A_3 : i32
    %mul3A_5 = arith.constant 4096 : i32
    %mul3A_6 = arith.muli %add3A_4, %mul3A_5 : i32
    %dma_start3A = tpu.memref_slice %arg3[%mul3A_6] : memref<8388608xf32, #tpu.memory_space<hbm>> -> memref<16384xf32, #tpu.memory_space<hbm>>
    %dma_start3A_7 = tpu.memref_slice %arg3[%mul3A_6] : memref<8388608xf32, #tpu.memory_space<hbm>> -> memref<16384xf32, #tpu.memory_space<hbm>>
    tpu.enqueue_dma source(%dma_start3A_7 : memref<16384xf32, #tpu.memory_space<hbm>>) target(%arg5 : memref<16384xf32, #tpu.memory_space<vmem>>) target_semaphore(%arg11 : memref<!tpu.dma_semaphore, #tpu.memory_space<semaphore_mem>>)
    %add3A_8 = arith.constant 0 : i32
    %add3A_9 = arith.addi %add3A_8, %mul3A_2 : i32
    %add3A_10 = arith.constant 0 : i32
    %add3A_11 = arith.addi %add3A_9, %add3A_10 : i32
    %mul3A_12 = arith.constant 4096 : i32
    %mul3A_13 = arith.muli %add3A_11, %mul3A_12 : i32
    %dma_start3A_14 = tpu.memref_slice %arg2[%mul3A_13] : memref<33554432xf32, #tpu.memory_space<hbm>> -> memref<16384xf32, #tpu.memory_space<hbm>>
    %dma_start3A_15 = tpu.memref_slice %arg2[%mul3A_13] : memref<33554432xf32, #tpu.memory_space<hbm>> -> memref<16384xf32, #tpu.memory_space<hbm>>
    tpu.enqueue_dma source(%dma_start3A_15 : memref<16384xf32, #tpu.memory_space<hbm>>) target(%arg7 : memref<16384xf32, #tpu.memory_space<vmem>>) target_semaphore(%arg13 : memref<!tpu.dma_semaphore, #tpu.memory_space<semaphore_mem>>)
    %add3A_16 = arith.constant 2048 : i32
    %add3A_17 = arith.addi %add3A_16, %mul3A_2 : i32
    %add3A_18 = arith.constant 0 : i32
    %add3A_19 = arith.addi %add3A_17, %add3A_18 : i32
    %mul3A_20 = arith.constant 4096 : i32
    %mul3A_21 = arith.muli %add3A_19, %mul3A_20 : i32
    %dma_start3A_22 = tpu.memref_slice %arg2[%mul3A_21] : memref<33554432xf32, #tpu.memory_space<hbm>> -> memref<16384xf32, #tpu.memory_space<hbm>>
    %dma_start3A_23 = tpu.memref_slice %arg2[%mul3A_21] : memref<33554432xf32, #tpu.memory_space<hbm>> -> memref<16384xf32, #tpu.memory_space<hbm>>
    tpu.enqueue_dma source(%dma_start3A_23 : memref<16384xf32, #tpu.memory_space<hbm>>) target(%arg8 : memref<16384xf32, #tpu.memory_space<vmem>>) target_semaphore(%arg14 : memref<!tpu.dma_semaphore, #tpu.memory_space<semaphore_mem>>)
    %scan3A = arith.constant 0 : i32
    %scan3A_24 = arith.constant 0 : i32
    %scan3A_25 = arith.constant 8 : i32
    %scan3A_26 = arith.addi %scan3A_24, %scan3A_25 : i32
    %scan3A_27 = arith.constant 1 : i32
    %scan3A_28 = scf.for %scan3A_45 = %scan3A_24 to %scan3A_26 step %scan3A_27 iter_args(%scan3A_46 = %scan3A) -> (i32)  : i32 {
      %mul3A_47 = arith.constant 2 : i32
      %mul3A_48 = arith.muli %mul3A_47, %scan3A_45 : i32
      %add3A_49 = arith.constant 0 : i32
      %add3A_50 = arith.addi %mul3A_48, %add3A_49 : i32
      %mul3A_51 = arith.constant 4 : i32
      %mul3A_52 = arith.muli %add3A_50, %mul3A_51 : i32
      %add3A_53 = arith.addi %mul3A_2, %mul3A_52 : i32
      %mul3A_54 = arith.constant 4096 : i32
      %mul3A_55 = arith.muli %add3A_53, %mul3A_54 : i32
      %dma_wait3A_56 = tpu.memref_slice %arg3[%mul3A_55] : memref<8388608xf32, #tpu.memory_space<hbm>> -> memref<16384xf32, #tpu.memory_space<hbm>>
      %dma_wait3A_57 = tpu.memref_slice %arg3[%mul3A_55] : memref<8388608xf32, #tpu.memory_space<hbm>> -> memref<16384xf32, #tpu.memory_space<hbm>>
      tpu.wait_dma2 semaphore(%arg11 : memref<!tpu.dma_semaphore, #tpu.memory_space<semaphore_mem>>) src(%dma_wait3A_57 : memref<16384xf32, #tpu.memory_space<hbm>>) dst(%arg5 : memref<16384xf32, #tpu.memory_space<vmem>>)
      %add3A_58 = arith.constant 1 : i32
      %add3A_59 = arith.addi %add3A_50, %add3A_58 : i32
      %lt3A = arith.constant 16 : i32
      %lt3A_60 = arith.cmpi slt, %add3A_59, %lt3A : i32
      %convert_element_type3A = arith.extui %lt3A_60 : i1 to i32
      %cond3A = arith.constant 0 : i32
      %cond3A_61 = arith.cmpi ne, %convert_element_type3A, %cond3A : i32
      scf.if %cond3A_61 {
        %add3A_792 = arith.constant 1 : i32
        %add3A_793 = arith.addi %add3A_50, %add3A_792 : i32
        %mul3A_794 = arith.constant 4 : i32
        %mul3A_795 = arith.muli %add3A_793, %mul3A_794 : i32
        %add3A_796 = arith.addi %mul3A_2, %mul3A_795 : i32
        %mul3A_797 = arith.constant 4096 : i32
        %mul3A_798 = arith.muli %add3A_796, %mul3A_797 : i32
        %dma_start3A_799 = tpu.memref_slice %arg3[%mul3A_798] : memref<8388608xf32, #tpu.memory_space<hbm>> -> memref<16384xf32, #tpu.memory_space<hbm>>
        %dma_start3A_800 = tpu.memref_slice %arg3[%mul3A_798] : memref<8388608xf32, #tpu.memory_space<hbm>> -> memref<16384xf32, #tpu.memory_space<hbm>>
        tpu.enqueue_dma source(%dma_start3A_800 : memref<16384xf32, #tpu.memory_space<hbm>>) target(%arg6 : memref<16384xf32, #tpu.memory_space<vmem>>) target_semaphore(%arg12 : memref<!tpu.dma_semaphore, #tpu.memory_space<semaphore_mem>>)
      } else {
      }
      %mul3A_62 = arith.constant 4 : i32
      %mul3A_63 = arith.muli %mul3A_62, %add3A_50 : i32
      %add3A_64 = arith.constant 0 : i32
      %add3A_65 = arith.addi %mul3A_63, %add3A_64 : i32
      %ge3A = arith.constant 2 : i32
      %ge3A_66 = arith.cmpi sge, %add3A_65, %ge3A : i32
      %convert_element_type3A_67 = arith.extui %ge3A_66 : i1 to i32
      %cond3A_68 = arith.constant 0 : i32
      %cond3A_69 = arith.cmpi ne, %convert_element_type3A_67, %cond3A_68 : i32
      scf.if %cond3A_69 {
        %sub3A_792 = arith.constant 2 : i32
        %sub3A_793 = arith.subi %add3A_65, %sub3A_792 : i32
        %jit3A_794 = arith.constant 4 : i32
        %div3A_795 = arith.divsi %sub3A_793, %jit3A_794 : i32
        %sign3A_796 = arith.constant 0 : i32
        %sign3A_797 = arith.cmpi sgt, %sub3A_793, %sign3A_796 : i32
        %sign3A_798 = arith.extui %sign3A_797 : i1 to i32
        %sign3A_799 = arith.constant 0 : i32
        %sign3A_800 = arith.cmpi slt, %sub3A_793, %sign3A_799 : i32
        %sign3A_801 = arith.extui %sign3A_800 : i1 to i32
        %sign3A_802 = arith.subi %sign3A_798, %sign3A_801 : i32
        %sign3A_803 = arith.constant 0 : i32
        %sign3A_804 = arith.cmpi sgt, %jit3A_794, %sign3A_803 : i32
        %sign3A_805 = arith.extui %sign3A_804 : i1 to i32
        %sign3A_806 = arith.constant 0 : i32
        %sign3A_807 = arith.cmpi slt, %jit3A_794, %sign3A_806 : i32
        %sign3A_808 = arith.extui %sign3A_807 : i1 to i32
        %sign3A_809 = arith.subi %sign3A_805, %sign3A_808 : i32
        %ne3A_810 = arith.cmpi ne, %sign3A_802, %sign3A_809 : i32
        %rem3A_811 = arith.remsi %sub3A_793, %jit3A_794 : i32
        %ne3A_812 = arith.constant 0 : i32
        %ne3A_813 = arith.cmpi ne, %rem3A_811, %ne3A_812 : i32
        %and3A_814 = arith.andi %ne3A_810, %ne3A_813 : i1
        %sub3A_815 = arith.constant 1 : i32
        %sub3A_816 = arith.subi %div3A_795, %sub3A_815 : i32
        %select_n3A_817 = arith.select %and3A_814, %sub3A_816, %div3A_795 : i32
        %mul3A_818 = arith.constant 4 : i32
        %mul3A_819 = arith.muli %select_n3A_817, %mul3A_818 : i32
        %sub3A_820 = arith.subi %sub3A_793, %mul3A_819 : i32
        %mul3A_821 = arith.constant 2048 : i32
        %mul3A_822 = arith.muli %sub3A_820, %mul3A_821 : i32
        %add3A_823 = arith.addi %mul3A_822, %mul3A_2 : i32
        %mul3A_824 = arith.constant 4 : i32
        %mul3A_825 = arith.muli %select_n3A_817, %mul3A_824 : i32
        %add3A_826 = arith.addi %add3A_823, %mul3A_825 : i32
        %mul3A_827 = arith.constant 4096 : i32
        %mul3A_828 = arith.muli %add3A_826, %mul3A_827 : i32
        %dma_wait3A_829 = tpu.memref_slice %arg4[%mul3A_828] : memref<33554432xf32, #tpu.memory_space<hbm>> -> memref<16384xf32, #tpu.memory_space<hbm>>
        %dma_wait3A_830 = tpu.memref_slice %arg4[%mul3A_828] : memref<33554432xf32, #tpu.memory_space<hbm>> -> memref<16384xf32, #tpu.memory_space<hbm>>
        tpu.wait_dma2 semaphore(%arg19 : memref<!tpu.dma_semaphore, #tpu.memory_space<semaphore_mem>>) src(%arg9 : memref<16384xf32, #tpu.memory_space<vmem>>) dst(%dma_wait3A_830 : memref<16384xf32, #tpu.memory_space<hbm>>)
      } else {
      }
      %add3A_70 = arith.constant 2 : i32
      %add3A_71 = arith.addi %add3A_65, %add3A_70 : i32
      %lt3A_72 = arith.constant 64 : i32
      %lt3A_73 = arith.cmpi slt, %add3A_71, %lt3A_72 : i32
      %convert_element_type3A_74 = arith.extui %lt3A_73 : i1 to i32
      %cond3A_75 = arith.constant 0 : i32
      %cond3A_76 = arith.cmpi ne, %convert_element_type3A_74, %cond3A_75 : i32
      scf.if %cond3A_76 {
        %add3A_792 = arith.constant 2 : i32
        %add3A_793 = arith.addi %add3A_65, %add3A_792 : i32
        %jit3A_794 = arith.constant 4 : i32
        %div3A_795 = arith.divsi %add3A_793, %jit3A_794 : i32
        %sign3A_796 = arith.constant 0 : i32
        %sign3A_797 = arith.cmpi sgt, %add3A_793, %sign3A_796 : i32
        %sign3A_798 = arith.extui %sign3A_797 : i1 to i32
        %sign3A_799 = arith.constant 0 : i32
        %sign3A_800 = arith.cmpi slt, %add3A_793, %sign3A_799 : i32
        %sign3A_801 = arith.extui %sign3A_800 : i1 to i32
        %sign3A_802 = arith.subi %sign3A_798, %sign3A_801 : i32
        %sign3A_803 = arith.constant 0 : i32
        %sign3A_804 = arith.cmpi sgt, %jit3A_794, %sign3A_803 : i32
        %sign3A_805 = arith.extui %sign3A_804 : i1 to i32
        %sign3A_806 = arith.constant 0 : i32
        %sign3A_807 = arith.cmpi slt, %jit3A_794, %sign3A_806 : i32
        %sign3A_808 = arith.extui %sign3A_807 : i1 to i32
        %sign3A_809 = arith.subi %sign3A_805, %sign3A_808 : i32
        %ne3A_810 = arith.cmpi ne, %sign3A_802, %sign3A_809 : i32
        %rem3A_811 = arith.remsi %add3A_793, %jit3A_794 : i32
        %ne3A_812 = arith.constant 0 : i32
        %ne3A_813 = arith.cmpi ne, %rem3A_811, %ne3A_812 : i32
        %and3A_814 = arith.andi %ne3A_810, %ne3A_813 : i1
        %sub3A_815 = arith.constant 1 : i32
        %sub3A_816 = arith.subi %div3A_795, %sub3A_815 : i32
        %select_n3A_817 = arith.select %and3A_814, %sub3A_816, %div3A_795 : i32
        %mul3A_818 = arith.constant 4 : i32
        %mul3A_819 = arith.muli %select_n3A_817, %mul3A_818 : i32
        %sub3A_820 = arith.subi %add3A_793, %mul3A_819 : i32
        %mul3A_821 = arith.constant 2048 : i32
        %mul3A_822 = arith.muli %sub3A_820, %mul3A_821 : i32
        %add3A_823 = arith.addi %mul3A_822, %mul3A_2 : i32
        %mul3A_824 = arith.constant 4 : i32
        %mul3A_825 = arith.muli %select_n3A_817, %mul3A_824 : i32
        %add3A_826 = arith.addi %add3A_823, %mul3A_825 : i32
        %mul3A_827 = arith.constant 4096 : i32
        %mul3A_828 = arith.muli %add3A_826, %mul3A_827 : i32
        %dma_start3A_829 = tpu.memref_slice %arg2[%mul3A_828] : memref<33554432xf32, #tpu.memory_space<hbm>> -> memref<16384xf32, #tpu.memory_space<hbm>>
        %dma_start3A_830 = tpu.memref_slice %arg2[%mul3A_828] : memref<33554432xf32, #tpu.memory_space<hbm>> -> memref<16384xf32, #tpu.memory_space<hbm>>
        tpu.enqueue_dma source(%dma_start3A_830 : memref<16384xf32, #tpu.memory_space<hbm>>) target(%arg9 : memref<16384xf32, #tpu.memory_space<vmem>>) target_semaphore(%arg15 : memref<!tpu.dma_semaphore, #tpu.memory_space<semaphore_mem>>)
      } else {
      }
      %jit3A = arith.constant 4 : i32
      %div3A = arith.divsi %add3A_65, %jit3A : i32
      %sign3A = arith.constant 0 : i32
      %sign3A_77 = arith.cmpi sgt, %add3A_65, %sign3A : i32
      %sign3A_78 = arith.extui %sign3A_77 : i1 to i32
      %sign3A_79 = arith.constant 0 : i32
      %sign3A_80 = arith.cmpi slt, %add3A_65, %sign3A_79 : i32
      %sign3A_81 = arith.extui %sign3A_80 : i1 to i32
      %sign3A_82 = arith.subi %sign3A_78, %sign3A_81 : i32
      %sign3A_83 = arith.constant 0 : i32
      %sign3A_84 = arith.cmpi sgt, %jit3A, %sign3A_83 : i32
      %sign3A_85 = arith.extui %sign3A_84 : i1 to i32
      %sign3A_86 = arith.constant 0 : i32
      %sign3A_87 = arith.cmpi slt, %jit3A, %sign3A_86 : i32
      %sign3A_88 = arith.extui %sign3A_87 : i1 to i32
      %sign3A_89 = arith.subi %sign3A_85, %sign3A_88 : i32
      %ne3A = arith.cmpi ne, %sign3A_82, %sign3A_89 : i32
      %rem3A = arith.remsi %add3A_65, %jit3A : i32
      %ne3A_90 = arith.constant 0 : i32
      %ne3A_91 = arith.cmpi ne, %rem3A, %ne3A_90 : i32
      %and3A = arith.andi %ne3A, %ne3A_91 : i1
      %sub3A = arith.constant 1 : i32
      %sub3A_92 = arith.subi %div3A, %sub3A : i32
      %select_n3A = arith.select %and3A, %sub3A_92, %div3A : i32
      %mul3A_93 = arith.constant 4 : i32
      %mul3A_94 = arith.muli %select_n3A, %mul3A_93 : i32
      %sub3A_95 = arith.subi %add3A_65, %mul3A_94 : i32
      %mul3A_96 = arith.constant 2048 : i32
      %mul3A_97 = arith.muli %sub3A_95, %mul3A_96 : i32
      %add3A_98 = arith.addi %mul3A_97, %mul3A_2 : i32
      %mul3A_99 = arith.constant 4 : i32
      %mul3A_100 = arith.muli %select_n3A, %mul3A_99 : i32
      %add3A_101 = arith.addi %add3A_98, %mul3A_100 : i32
      %mul3A_102 = arith.constant 4096 : i32
      %mul3A_103 = arith.muli %add3A_101, %mul3A_102 : i32
      %dma_wait3A_104 = tpu.memref_slice %arg2[%mul3A_103] : memref<33554432xf32, #tpu.memory_space<hbm>> -> memref<16384xf32, #tpu.memory_space<hbm>>
      %dma_wait3A_105 = tpu.memref_slice %arg2[%mul3A_103] : memref<33554432xf32, #tpu.memory_space<hbm>> -> memref<16384xf32, #tpu.memory_space<hbm>>
      tpu.wait_dma2 semaphore(%arg13 : memref<!tpu.dma_semaphore, #tpu.memory_space<semaphore_mem>>) src(%dma_wait3A_105 : memref<16384xf32, #tpu.memory_space<hbm>>) dst(%arg7 : memref<16384xf32, #tpu.memory_space<vmem>>)
      %jit3A_106 = arith.constant 4 : i32
      %div3A_107 = arith.divsi %add3A_65, %jit3A_106 : i32
      %sign3A_108 = arith.constant 0 : i32
      %sign3A_109 = arith.cmpi sgt, %add3A_65, %sign3A_108 : i32
      %sign3A_110 = arith.extui %sign3A_109 : i1 to i32
      %sign3A_111 = arith.constant 0 : i32
      %sign3A_112 = arith.cmpi slt, %add3A_65, %sign3A_111 : i32
      %sign3A_113 = arith.extui %sign3A_112 : i1 to i32
      %sign3A_114 = arith.subi %sign3A_110, %sign3A_113 : i32
      %sign3A_115 = arith.constant 0 : i32
      %sign3A_116 = arith.cmpi sgt, %jit3A_106, %sign3A_115 : i32
      %sign3A_117 = arith.extui %sign3A_116 : i1 to i32
      %sign3A_118 = arith.constant 0 : i32
      %sign3A_119 = arith.cmpi slt, %jit3A_106, %sign3A_118 : i32
      %sign3A_120 = arith.extui %sign3A_119 : i1 to i32
      %sign3A_121 = arith.subi %sign3A_117, %sign3A_120 : i32
      %ne3A_122 = arith.cmpi ne, %sign3A_114, %sign3A_121 : i32
      %rem3A_123 = arith.remsi %add3A_65, %jit3A_106 : i32
      %ne3A_124 = arith.constant 0 : i32
      %ne3A_125 = arith.cmpi ne, %rem3A_123, %ne3A_124 : i32
      %and3A_126 = arith.andi %ne3A_122, %ne3A_125 : i1
      %sub3A_127 = arith.constant 1 : i32
      %sub3A_128 = arith.subi %div3A_107, %sub3A_127 : i32
      %select_n3A_129 = arith.select %and3A_126, %sub3A_128, %div3A_107 : i32
      %mul3A_130 = arith.constant 4 : i32
      %mul3A_131 = arith.muli %select_n3A_129, %mul3A_130 : i32
      %sub3A_132 = arith.subi %add3A_65, %mul3A_131 : i32
      %mul3A_133 = arith.constant 2048 : i32
      %mul3A_134 = arith.muli %sub3A_132, %mul3A_133 : i32
      %add3A_135 = arith.addi %mul3A_134, %mul3A_2 : i32
      %mul3A_136 = arith.constant 4 : i32
      %mul3A_137 = arith.muli %select_n3A_129, %mul3A_136 : i32
      %add3A_138 = arith.addi %add3A_135, %mul3A_137 : i32
      %mul3A_139 = arith.constant 4096 : i32
      %mul3A_140 = arith.muli %add3A_138, %mul3A_139 : i32
      %dma_start3A_141 = tpu.memref_slice %arg4[%mul3A_140] : memref<33554432xf32, #tpu.memory_space<hbm>> -> memref<16384xf32, #tpu.memory_space<hbm>>
      %dma_start3A_142 = tpu.memref_slice %arg4[%mul3A_140] : memref<33554432xf32, #tpu.memory_space<hbm>> -> memref<16384xf32, #tpu.memory_space<hbm>>
      tpu.enqueue_dma source(%arg7 : memref<16384xf32, #tpu.memory_space<vmem>>) target(%dma_start3A_142 : memref<16384xf32, #tpu.memory_space<hbm>>) target_semaphore(%arg17 : memref<!tpu.dma_semaphore, #tpu.memory_space<semaphore_mem>>)
      %mul3A_143 = arith.constant 4 : i32
      %mul3A_144 = arith.muli %mul3A_143, %add3A_50 : i32
      %add3A_145 = arith.constant 1 : i32
      %add3A_146 = arith.addi %mul3A_144, %add3A_145 : i32
      %ge3A_147 = arith.constant 2 : i32
      %ge3A_148 = arith.cmpi sge, %add3A_146, %ge3A_147 : i32
      %convert_element_type3A_149 = arith.extui %ge3A_148 : i1 to i32
      %cond3A_150 = arith.constant 0 : i32
      %cond3A_151 = arith.cmpi ne, %convert_element_type3A_149, %cond3A_150 : i32
      scf.if %cond3A_151 {
        %sub3A_792 = arith.constant 2 : i32
        %sub3A_793 = arith.subi %add3A_146, %sub3A_792 : i32
        %jit3A_794 = arith.constant 4 : i32
        %div3A_795 = arith.divsi %sub3A_793, %jit3A_794 : i32
        %sign3A_796 = arith.constant 0 : i32
        %sign3A_797 = arith.cmpi sgt, %sub3A_793, %sign3A_796 : i32
        %sign3A_798 = arith.extui %sign3A_797 : i1 to i32
        %sign3A_799 = arith.constant 0 : i32
        %sign3A_800 = arith.cmpi slt, %sub3A_793, %sign3A_799 : i32
        %sign3A_801 = arith.extui %sign3A_800 : i1 to i32
        %sign3A_802 = arith.subi %sign3A_798, %sign3A_801 : i32
        %sign3A_803 = arith.constant 0 : i32
        %sign3A_804 = arith.cmpi sgt, %jit3A_794, %sign3A_803 : i32
        %sign3A_805 = arith.extui %sign3A_804 : i1 to i32
        %sign3A_806 = arith.constant 0 : i32
        %sign3A_807 = arith.cmpi slt, %jit3A_794, %sign3A_806 : i32
        %sign3A_808 = arith.extui %sign3A_807 : i1 to i32
        %sign3A_809 = arith.subi %sign3A_805, %sign3A_808 : i32
        %ne3A_810 = arith.cmpi ne, %sign3A_802, %sign3A_809 : i32
        %rem3A_811 = arith.remsi %sub3A_793, %jit3A_794 : i32
        %ne3A_812 = arith.constant 0 : i32
        %ne3A_813 = arith.cmpi ne, %rem3A_811, %ne3A_812 : i32
        %and3A_814 = arith.andi %ne3A_810, %ne3A_813 : i1
        %sub3A_815 = arith.constant 1 : i32
        %sub3A_816 = arith.subi %div3A_795, %sub3A_815 : i32
        %select_n3A_817 = arith.select %and3A_814, %sub3A_816, %div3A_795 : i32
        %mul3A_818 = arith.constant 4 : i32
        %mul3A_819 = arith.muli %select_n3A_817, %mul3A_818 : i32
        %sub3A_820 = arith.subi %sub3A_793, %mul3A_819 : i32
        %mul3A_821 = arith.constant 2048 : i32
        %mul3A_822 = arith.muli %sub3A_820, %mul3A_821 : i32
        %add3A_823 = arith.addi %mul3A_822, %mul3A_2 : i32
        %mul3A_824 = arith.constant 4 : i32
        %mul3A_825 = arith.muli %select_n3A_817, %mul3A_824 : i32
        %add3A_826 = arith.addi %add3A_823, %mul3A_825 : i32
        %mul3A_827 = arith.constant 4096 : i32
        %mul3A_828 = arith.muli %add3A_826, %mul3A_827 : i32
        %dma_wait3A_829 = tpu.memref_slice %arg4[%mul3A_828] : memref<33554432xf32, #tpu.memory_space<hbm>> -> memref<16384xf32, #tpu.memory_space<hbm>>
        %dma_wait3A_830 = tpu.memref_slice %arg4[%mul3A_828] : memref<33554432xf32, #tpu.memory_space<hbm>> -> memref<16384xf32, #tpu.memory_space<hbm>>
        tpu.wait_dma2 semaphore(%arg20 : memref<!tpu.dma_semaphore, #tpu.memory_space<semaphore_mem>>) src(%arg10 : memref<16384xf32, #tpu.memory_space<vmem>>) dst(%dma_wait3A_830 : memref<16384xf32, #tpu.memory_space<hbm>>)
      } else {
      }
      %add3A_152 = arith.constant 2 : i32
      %add3A_153 = arith.addi %add3A_146, %add3A_152 : i32
      %lt3A_154 = arith.constant 64 : i32
      %lt3A_155 = arith.cmpi slt, %add3A_153, %lt3A_154 : i32
      %convert_element_type3A_156 = arith.extui %lt3A_155 : i1 to i32
      %cond3A_157 = arith.constant 0 : i32
      %cond3A_158 = arith.cmpi ne, %convert_element_type3A_156, %cond3A_157 : i32
      scf.if %cond3A_158 {
        %add3A_792 = arith.constant 2 : i32
        %add3A_793 = arith.addi %add3A_146, %add3A_792 : i32
        %jit3A_794 = arith.constant 4 : i32
        %div3A_795 = arith.divsi %add3A_793, %jit3A_794 : i32
        %sign3A_796 = arith.constant 0 : i32
        %sign3A_797 = arith.cmpi sgt, %add3A_793, %sign3A_796 : i32
        %sign3A_798 = arith.extui %sign3A_797 : i1 to i32
        %sign3A_799 = arith.constant 0 : i32
        %sign3A_800 = arith.cmpi slt, %add3A_793, %sign3A_799 : i32
        %sign3A_801 = arith.extui %sign3A_800 : i1 to i32
        %sign3A_802 = arith.subi %sign3A_798, %sign3A_801 : i32
        %sign3A_803 = arith.constant 0 : i32
        %sign3A_804 = arith.cmpi sgt, %jit3A_794, %sign3A_803 : i32
        %sign3A_805 = arith.extui %sign3A_804 : i1 to i32
        %sign3A_806 = arith.constant 0 : i32
        %sign3A_807 = arith.cmpi slt, %jit3A_794, %sign3A_806 : i32
        %sign3A_808 = arith.extui %sign3A_807 : i1 to i32
        %sign3A_809 = arith.subi %sign3A_805, %sign3A_808 : i32
        %ne3A_810 = arith.cmpi ne, %sign3A_802, %sign3A_809 : i32
        %rem3A_811 = arith.remsi %add3A_793, %jit3A_794 : i32
        %ne3A_812 = arith.constant 0 : i32
        %ne3A_813 = arith.cmpi ne, %rem3A_811, %ne3A_812 : i32
        %and3A_814 = arith.andi %ne3A_810, %ne3A_813 : i1
        %sub3A_815 = arith.constant 1 : i32
        %sub3A_816 = arith.subi %div3A_795, %sub3A_815 : i32
        %select_n3A_817 = arith.select %and3A_814, %sub3A_816, %div3A_795 : i32
        %mul3A_818 = arith.constant 4 : i32
        %mul3A_819 = arith.muli %select_n3A_817, %mul3A_818 : i32
        %sub3A_820 = arith.subi %add3A_793, %mul3A_819 : i32
        %mul3A_821 = arith.constant 2048 : i32
        %mul3A_822 = arith.muli %sub3A_820, %mul3A_821 : i32
        %add3A_823 = arith.addi %mul3A_822, %mul3A_2 : i32
        %mul3A_824 = arith.constant 4 : i32
        %mul3A_825 = arith.muli %select_n3A_817, %mul3A_824 : i32
        %add3A_826 = arith.addi %add3A_823, %mul3A_825 : i32
        %mul3A_827 = arith.constant 4096 : i32
        %mul3A_828 = arith.muli %add3A_826, %mul3A_827 : i32
        %dma_start3A_829 = tpu.memref_slice %arg2[%mul3A_828] : memref<33554432xf32, #tpu.memory_space<hbm>> -> memref<16384xf32, #tpu.memory_space<hbm>>
        %dma_start3A_830 = tpu.memref_slice %arg2[%mul3A_828] : memref<33554432xf32, #tpu.memory_space<hbm>> -> memref<16384xf32, #tpu.memory_space<hbm>>
        tpu.enqueue_dma source(%dma_start3A_830 : memref<16384xf32, #tpu.memory_space<hbm>>) target(%arg10 : memref<16384xf32, #tpu.memory_space<vmem>>) target_semaphore(%arg16 : memref<!tpu.dma_semaphore, #tpu.memory_space<semaphore_mem>>)
      } else {
      }
      %jit3A_159 = arith.constant 4 : i32
      %div3A_160 = arith.divsi %add3A_146, %jit3A_159 : i32
      %sign3A_161 = arith.constant 0 : i32
      %sign3A_162 = arith.cmpi sgt, %add3A_146, %sign3A_161 : i32
      %sign3A_163 = arith.extui %sign3A_162 : i1 to i32
      %sign3A_164 = arith.constant 0 : i32
      %sign3A_165 = arith.cmpi slt, %add3A_146, %sign3A_164 : i32
      %sign3A_166 = arith.extui %sign3A_165 : i1 to i32
      %sign3A_167 = arith.subi %sign3A_163, %sign3A_166 : i32
      %sign3A_168 = arith.constant 0 : i32
      %sign3A_169 = arith.cmpi sgt, %jit3A_159, %sign3A_168 : i32
      %sign3A_170 = arith.extui %sign3A_169 : i1 to i32
      %sign3A_171 = arith.constant 0 : i32
      %sign3A_172 = arith.cmpi slt, %jit3A_159, %sign3A_171 : i32
      %sign3A_173 = arith.extui %sign3A_172 : i1 to i32
      %sign3A_174 = arith.subi %sign3A_170, %sign3A_173 : i32
      %ne3A_175 = arith.cmpi ne, %sign3A_167, %sign3A_174 : i32
      %rem3A_176 = arith.remsi %add3A_146, %jit3A_159 : i32
      %ne3A_177 = arith.constant 0 : i32
      %ne3A_178 = arith.cmpi ne, %rem3A_176, %ne3A_177 : i32
      %and3A_179 = arith.andi %ne3A_175, %ne3A_178 : i1
      %sub3A_180 = arith.constant 1 : i32
      %sub3A_181 = arith.subi %div3A_160, %sub3A_180 : i32
      %select_n3A_182 = arith.select %and3A_179, %sub3A_181, %div3A_160 : i32
      %mul3A_183 = arith.constant 4 : i32
      %mul3A_184 = arith.muli %select_n3A_182, %mul3A_183 : i32
      %sub3A_185 = arith.subi %add3A_146, %mul3A_184 : i32
      %mul3A_186 = arith.constant 2048 : i32
      %mul3A_187 = arith.muli %sub3A_185, %mul3A_186 : i32
      %add3A_188 = arith.addi %mul3A_187, %mul3A_2 : i32
      %mul3A_189 = arith.constant 4 : i32
      %mul3A_190 = arith.muli %select_n3A_182, %mul3A_189 : i32
      %add3A_191 = arith.addi %add3A_188, %mul3A_190 : i32
      %mul3A_192 = arith.constant 4096 : i32
      %mul3A_193 = arith.muli %add3A_191, %mul3A_192 : i32
      %dma_wait3A_194 = tpu.memref_slice %arg2[%mul3A_193] : memref<33554432xf32, #tpu.memory_space<hbm>> -> memref<16384xf32, #tpu.memory_space<hbm>>
      %dma_wait3A_195 = tpu.memref_slice %arg2[%mul3A_193] : memref<33554432xf32, #tpu.memory_space<hbm>> -> memref<16384xf32, #tpu.memory_space<hbm>>
      tpu.wait_dma2 semaphore(%arg14 : memref<!tpu.dma_semaphore, #tpu.memory_space<semaphore_mem>>) src(%dma_wait3A_195 : memref<16384xf32, #tpu.memory_space<hbm>>) dst(%arg8 : memref<16384xf32, #tpu.memory_space<vmem>>)
      %jit3A_196 = arith.constant 4 : i32
      %div3A_197 = arith.divsi %add3A_146, %jit3A_196 : i32
      %sign3A_198 = arith.constant 0 : i32
      %sign3A_199 = arith.cmpi sgt, %add3A_146, %sign3A_198 : i32
      %sign3A_200 = arith.extui %sign3A_199 : i1 to i32
      %sign3A_201 = arith.constant 0 : i32
      %sign3A_202 = arith.cmpi slt, %add3A_146, %sign3A_201 : i32
      %sign3A_203 = arith.extui %sign3A_202 : i1 to i32
      %sign3A_204 = arith.subi %sign3A_200, %sign3A_203 : i32
      %sign3A_205 = arith.constant 0 : i32
      %sign3A_206 = arith.cmpi sgt, %jit3A_196, %sign3A_205 : i32
      %sign3A_207 = arith.extui %sign3A_206 : i1 to i32
      %sign3A_208 = arith.constant 0 : i32
      %sign3A_209 = arith.cmpi slt, %jit3A_196, %sign3A_208 : i32
      %sign3A_210 = arith.extui %sign3A_209 : i1 to i32
      %sign3A_211 = arith.subi %sign3A_207, %sign3A_210 : i32
      %ne3A_212 = arith.cmpi ne, %sign3A_204, %sign3A_211 : i32
      %rem3A_213 = arith.remsi %add3A_146, %jit3A_196 : i32
      %ne3A_214 = arith.constant 0 : i32
      %ne3A_215 = arith.cmpi ne, %rem3A_213, %ne3A_214 : i32
      %and3A_216 = arith.andi %ne3A_212, %ne3A_215 : i1
      %sub3A_217 = arith.constant 1 : i32
      %sub3A_218 = arith.subi %div3A_197, %sub3A_217 : i32
      %select_n3A_219 = arith.select %and3A_216, %sub3A_218, %div3A_197 : i32
      %mul3A_220 = arith.constant 4 : i32
      %mul3A_221 = arith.muli %select_n3A_219, %mul3A_220 : i32
      %sub3A_222 = arith.subi %add3A_146, %mul3A_221 : i32
      %mul3A_223 = arith.constant 2048 : i32
      %mul3A_224 = arith.muli %sub3A_222, %mul3A_223 : i32
      %add3A_225 = arith.addi %mul3A_224, %mul3A_2 : i32
      %mul3A_226 = arith.constant 4 : i32
      %mul3A_227 = arith.muli %select_n3A_219, %mul3A_226 : i32
      %add3A_228 = arith.addi %add3A_225, %mul3A_227 : i32
      %mul3A_229 = arith.constant 4096 : i32
      %mul3A_230 = arith.muli %add3A_228, %mul3A_229 : i32
      %dma_start3A_231 = tpu.memref_slice %arg4[%mul3A_230] : memref<33554432xf32, #tpu.memory_space<hbm>> -> memref<16384xf32, #tpu.memory_space<hbm>>
      %dma_start3A_232 = tpu.memref_slice %arg4[%mul3A_230] : memref<33554432xf32, #tpu.memory_space<hbm>> -> memref<16384xf32, #tpu.memory_space<hbm>>
      tpu.enqueue_dma source(%arg8 : memref<16384xf32, #tpu.memory_space<vmem>>) target(%dma_start3A_232 : memref<16384xf32, #tpu.memory_space<hbm>>) target_semaphore(%arg18 : memref<!tpu.dma_semaphore, #tpu.memory_space<semaphore_mem>>)
      %mul3A_233 = arith.constant 4 : i32
      %mul3A_234 = arith.muli %mul3A_233, %add3A_50 : i32
      %add3A_235 = arith.constant 2 : i32
      %add3A_236 = arith.addi %mul3A_234, %add3A_235 : i32
      %ge3A_237 = arith.constant 2 : i32
      %ge3A_238 = arith.cmpi sge, %add3A_236, %ge3A_237 : i32
      %convert_element_type3A_239 = arith.extui %ge3A_238 : i1 to i32
      %cond3A_240 = arith.constant 0 : i32
      %cond3A_241 = arith.cmpi ne, %convert_element_type3A_239, %cond3A_240 : i32
      scf.if %cond3A_241 {
        %sub3A_792 = arith.constant 2 : i32
        %sub3A_793 = arith.subi %add3A_236, %sub3A_792 : i32
        %jit3A_794 = arith.constant 4 : i32
        %div3A_795 = arith.divsi %sub3A_793, %jit3A_794 : i32
        %sign3A_796 = arith.constant 0 : i32
        %sign3A_797 = arith.cmpi sgt, %sub3A_793, %sign3A_796 : i32
        %sign3A_798 = arith.extui %sign3A_797 : i1 to i32
        %sign3A_799 = arith.constant 0 : i32
        %sign3A_800 = arith.cmpi slt, %sub3A_793, %sign3A_799 : i32
        %sign3A_801 = arith.extui %sign3A_800 : i1 to i32
        %sign3A_802 = arith.subi %sign3A_798, %sign3A_801 : i32
        %sign3A_803 = arith.constant 0 : i32
        %sign3A_804 = arith.cmpi sgt, %jit3A_794, %sign3A_803 : i32
        %sign3A_805 = arith.extui %sign3A_804 : i1 to i32
        %sign3A_806 = arith.constant 0 : i32
        %sign3A_807 = arith.cmpi slt, %jit3A_794, %sign3A_806 : i32
        %sign3A_808 = arith.extui %sign3A_807 : i1 to i32
        %sign3A_809 = arith.subi %sign3A_805, %sign3A_808 : i32
        %ne3A_810 = arith.cmpi ne, %sign3A_802, %sign3A_809 : i32
        %rem3A_811 = arith.remsi %sub3A_793, %jit3A_794 : i32
        %ne3A_812 = arith.constant 0 : i32
        %ne3A_813 = arith.cmpi ne, %rem3A_811, %ne3A_812 : i32
        %and3A_814 = arith.andi %ne3A_810, %ne3A_813 : i1
        %sub3A_815 = arith.constant 1 : i32
        %sub3A_816 = arith.subi %div3A_795, %sub3A_815 : i32
        %select_n3A_817 = arith.select %and3A_814, %sub3A_816, %div3A_795 : i32
        %mul3A_818 = arith.constant 4 : i32
        %mul3A_819 = arith.muli %select_n3A_817, %mul3A_818 : i32
        %sub3A_820 = arith.subi %sub3A_793, %mul3A_819 : i32
        %mul3A_821 = arith.constant 2048 : i32
        %mul3A_822 = arith.muli %sub3A_820, %mul3A_821 : i32
        %add3A_823 = arith.addi %mul3A_822, %mul3A_2 : i32
        %mul3A_824 = arith.constant 4 : i32
        %mul3A_825 = arith.muli %select_n3A_817, %mul3A_824 : i32
        %add3A_826 = arith.addi %add3A_823, %mul3A_825 : i32
        %mul3A_827 = arith.constant 4096 : i32
        %mul3A_828 = arith.muli %add3A_826, %mul3A_827 : i32
        %dma_wait3A_829 = tpu.memref_slice %arg4[%mul3A_828] : memref<33554432xf32, #tpu.memory_space<hbm>> -> memref<16384xf32, #tpu.memory_space<hbm>>
        %dma_wait3A_830 = tpu.memref_slice %arg4[%mul3A_828] : memref<33554432xf32, #tpu.memory_space<hbm>> -> memref<16384xf32, #tpu.memory_space<hbm>>
        tpu.wait_dma2 semaphore(%arg17 : memref<!tpu.dma_semaphore, #tpu.memory_space<semaphore_mem>>) src(%arg7 : memref<16384xf32, #tpu.memory_space<vmem>>) dst(%dma_wait3A_830 : memref<16384xf32, #tpu.memory_space<hbm>>)
      } else {
      }
      %add3A_242 = arith.constant 2 : i32
      %add3A_243 = arith.addi %add3A_236, %add3A_242 : i32
      %lt3A_244 = arith.constant 64 : i32
      %lt3A_245 = arith.cmpi slt, %add3A_243, %lt3A_244 : i32
      %convert_element_type3A_246 = arith.extui %lt3A_245 : i1 to i32
      %cond3A_247 = arith.constant 0 : i32
      %cond3A_248 = arith.cmpi ne, %convert_element_type3A_246, %cond3A_247 : i32
      scf.if %cond3A_248 {
        %add3A_792 = arith.constant 2 : i32
        %add3A_793 = arith.addi %add3A_236, %add3A_792 : i32
        %jit3A_794 = arith.constant 4 : i32
        %div3A_795 = arith.divsi %add3A_793, %jit3A_794 : i32
        %sign3A_796 = arith.constant 0 : i32
        %sign3A_797 = arith.cmpi sgt, %add3A_793, %sign3A_796 : i32
        %sign3A_798 = arith.extui %sign3A_797 : i1 to i32
        %sign3A_799 = arith.constant 0 : i32
        %sign3A_800 = arith.cmpi slt, %add3A_793, %sign3A_799 : i32
        %sign3A_801 = arith.extui %sign3A_800 : i1 to i32
        %sign3A_802 = arith.subi %sign3A_798, %sign3A_801 : i32
        %sign3A_803 = arith.constant 0 : i32
        %sign3A_804 = arith.cmpi sgt, %jit3A_794, %sign3A_803 : i32
        %sign3A_805 = arith.extui %sign3A_804 : i1 to i32
        %sign3A_806 = arith.constant 0 : i32
        %sign3A_807 = arith.cmpi slt, %jit3A_794, %sign3A_806 : i32
        %sign3A_808 = arith.extui %sign3A_807 : i1 to i32
        %sign3A_809 = arith.subi %sign3A_805, %sign3A_808 : i32
        %ne3A_810 = arith.cmpi ne, %sign3A_802, %sign3A_809 : i32
        %rem3A_811 = arith.remsi %add3A_793, %jit3A_794 : i32
        %ne3A_812 = arith.constant 0 : i32
        %ne3A_813 = arith.cmpi ne, %rem3A_811, %ne3A_812 : i32
        %and3A_814 = arith.andi %ne3A_810, %ne3A_813 : i1
        %sub3A_815 = arith.constant 1 : i32
        %sub3A_816 = arith.subi %div3A_795, %sub3A_815 : i32
        %select_n3A_817 = arith.select %and3A_814, %sub3A_816, %div3A_795 : i32
        %mul3A_818 = arith.constant 4 : i32
        %mul3A_819 = arith.muli %select_n3A_817, %mul3A_818 : i32
        %sub3A_820 = arith.subi %add3A_793, %mul3A_819 : i32
        %mul3A_821 = arith.constant 2048 : i32
        %mul3A_822 = arith.muli %sub3A_820, %mul3A_821 : i32
        %add3A_823 = arith.addi %mul3A_822, %mul3A_2 : i32
        %mul3A_824 = arith.constant 4 : i32
        %mul3A_825 = arith.muli %select_n3A_817, %mul3A_824 : i32
        %add3A_826 = arith.addi %add3A_823, %mul3A_825 : i32
        %mul3A_827 = arith.constant 4096 : i32
        %mul3A_828 = arith.muli %add3A_826, %mul3A_827 : i32
        %dma_start3A_829 = tpu.memref_slice %arg2[%mul3A_828] : memref<33554432xf32, #tpu.memory_space<hbm>> -> memref<16384xf32, #tpu.memory_space<hbm>>
        %dma_start3A_830 = tpu.memref_slice %arg2[%mul3A_828] : memref<33554432xf32, #tpu.memory_space<hbm>> -> memref<16384xf32, #tpu.memory_space<hbm>>
        tpu.enqueue_dma source(%dma_start3A_830 : memref<16384xf32, #tpu.memory_space<hbm>>) target(%arg7 : memref<16384xf32, #tpu.memory_space<vmem>>) target_semaphore(%arg13 : memref<!tpu.dma_semaphore, #tpu.memory_space<semaphore_mem>>)
      } else {
      }
      %jit3A_249 = arith.constant 4 : i32
      %div3A_250 = arith.divsi %add3A_236, %jit3A_249 : i32
      %sign3A_251 = arith.constant 0 : i32
      %sign3A_252 = arith.cmpi sgt, %add3A_236, %sign3A_251 : i32
      %sign3A_253 = arith.extui %sign3A_252 : i1 to i32
      %sign3A_254 = arith.constant 0 : i32
      %sign3A_255 = arith.cmpi slt, %add3A_236, %sign3A_254 : i32
      %sign3A_256 = arith.extui %sign3A_255 : i1 to i32
      %sign3A_257 = arith.subi %sign3A_253, %sign3A_256 : i32
      %sign3A_258 = arith.constant 0 : i32
      %sign3A_259 = arith.cmpi sgt, %jit3A_249, %sign3A_258 : i32
      %sign3A_260 = arith.extui %sign3A_259 : i1 to i32
      %sign3A_261 = arith.constant 0 : i32
      %sign3A_262 = arith.cmpi slt, %jit3A_249, %sign3A_261 : i32
      %sign3A_263 = arith.extui %sign3A_262 : i1 to i32
      %sign3A_264 = arith.subi %sign3A_260, %sign3A_263 : i32
      %ne3A_265 = arith.cmpi ne, %sign3A_257, %sign3A_264 : i32
      %rem3A_266 = arith.remsi %add3A_236, %jit3A_249 : i32
      %ne3A_267 = arith.constant 0 : i32
      %ne3A_268 = arith.cmpi ne, %rem3A_266, %ne3A_267 : i32
      %and3A_269 = arith.andi %ne3A_265, %ne3A_268 : i1
      %sub3A_270 = arith.constant 1 : i32
      %sub3A_271 = arith.subi %div3A_250, %sub3A_270 : i32
      %select_n3A_272 = arith.select %and3A_269, %sub3A_271, %div3A_250 : i32
      %mul3A_273 = arith.constant 4 : i32
      %mul3A_274 = arith.muli %select_n3A_272, %mul3A_273 : i32
      %sub3A_275 = arith.subi %add3A_236, %mul3A_274 : i32
      %mul3A_276 = arith.constant 2048 : i32
      %mul3A_277 = arith.muli %sub3A_275, %mul3A_276 : i32
      %add3A_278 = arith.addi %mul3A_277, %mul3A_2 : i32
      %mul3A_279 = arith.constant 4 : i32
      %mul3A_280 = arith.muli %select_n3A_272, %mul3A_279 : i32
      %add3A_281 = arith.addi %add3A_278, %mul3A_280 : i32
      %mul3A_282 = arith.constant 4096 : i32
      %mul3A_283 = arith.muli %add3A_281, %mul3A_282 : i32
      %dma_wait3A_284 = tpu.memref_slice %arg2[%mul3A_283] : memref<33554432xf32, #tpu.memory_space<hbm>> -> memref<16384xf32, #tpu.memory_space<hbm>>
      %dma_wait3A_285 = tpu.memref_slice %arg2[%mul3A_283] : memref<33554432xf32, #tpu.memory_space<hbm>> -> memref<16384xf32, #tpu.memory_space<hbm>>
      tpu.wait_dma2 semaphore(%arg15 : memref<!tpu.dma_semaphore, #tpu.memory_space<semaphore_mem>>) src(%dma_wait3A_285 : memref<16384xf32, #tpu.memory_space<hbm>>) dst(%arg9 : memref<16384xf32, #tpu.memory_space<vmem>>)
      %jit3A_286 = arith.constant 4 : i32
      %div3A_287 = arith.divsi %add3A_236, %jit3A_286 : i32
      %sign3A_288 = arith.constant 0 : i32
      %sign3A_289 = arith.cmpi sgt, %add3A_236, %sign3A_288 : i32
      %sign3A_290 = arith.extui %sign3A_289 : i1 to i32
      %sign3A_291 = arith.constant 0 : i32
      %sign3A_292 = arith.cmpi slt, %add3A_236, %sign3A_291 : i32
      %sign3A_293 = arith.extui %sign3A_292 : i1 to i32
      %sign3A_294 = arith.subi %sign3A_290, %sign3A_293 : i32
      %sign3A_295 = arith.constant 0 : i32
      %sign3A_296 = arith.cmpi sgt, %jit3A_286, %sign3A_295 : i32
      %sign3A_297 = arith.extui %sign3A_296 : i1 to i32
      %sign3A_298 = arith.constant 0 : i32
      %sign3A_299 = arith.cmpi slt, %jit3A_286, %sign3A_298 : i32
      %sign3A_300 = arith.extui %sign3A_299 : i1 to i32
      %sign3A_301 = arith.subi %sign3A_297, %sign3A_300 : i32
      %ne3A_302 = arith.cmpi ne, %sign3A_294, %sign3A_301 : i32
      %rem3A_303 = arith.remsi %add3A_236, %jit3A_286 : i32
      %ne3A_304 = arith.constant 0 : i32
      %ne3A_305 = arith.cmpi ne, %rem3A_303, %ne3A_304 : i32
      %and3A_306 = arith.andi %ne3A_302, %ne3A_305 : i1
      %sub3A_307 = arith.constant 1 : i32
      %sub3A_308 = arith.subi %div3A_287, %sub3A_307 : i32
      %select_n3A_309 = arith.select %and3A_306, %sub3A_308, %div3A_287 : i32
      %mul3A_310 = arith.constant 4 : i32
      %mul3A_311 = arith.muli %select_n3A_309, %mul3A_310 : i32
      %sub3A_312 = arith.subi %add3A_236, %mul3A_311 : i32
      %mul3A_313 = arith.constant 2048 : i32
      %mul3A_314 = arith.muli %sub3A_312, %mul3A_313 : i32
      %add3A_315 = arith.addi %mul3A_314, %mul3A_2 : i32
      %mul3A_316 = arith.constant 4 : i32
      %mul3A_317 = arith.muli %select_n3A_309, %mul3A_316 : i32
      %add3A_318 = arith.addi %add3A_315, %mul3A_317 : i32
      %mul3A_319 = arith.constant 4096 : i32
      %mul3A_320 = arith.muli %add3A_318, %mul3A_319 : i32
      %dma_start3A_321 = tpu.memref_slice %arg4[%mul3A_320] : memref<33554432xf32, #tpu.memory_space<hbm>> -> memref<16384xf32, #tpu.memory_space<hbm>>
      %dma_start3A_322 = tpu.memref_slice %arg4[%mul3A_320] : memref<33554432xf32, #tpu.memory_space<hbm>> -> memref<16384xf32, #tpu.memory_space<hbm>>
      tpu.enqueue_dma source(%arg9 : memref<16384xf32, #tpu.memory_space<vmem>>) target(%dma_start3A_322 : memref<16384xf32, #tpu.memory_space<hbm>>) target_semaphore(%arg19 : memref<!tpu.dma_semaphore, #tpu.memory_space<semaphore_mem>>)
      %mul3A_323 = arith.constant 4 : i32
      %mul3A_324 = arith.muli %mul3A_323, %add3A_50 : i32
      %add3A_325 = arith.constant 3 : i32
      %add3A_326 = arith.addi %mul3A_324, %add3A_325 : i32
      %ge3A_327 = arith.constant 2 : i32
      %ge3A_328 = arith.cmpi sge, %add3A_326, %ge3A_327 : i32
      %convert_element_type3A_329 = arith.extui %ge3A_328 : i1 to i32
      %cond3A_330 = arith.constant 0 : i32
      %cond3A_331 = arith.cmpi ne, %convert_element_type3A_329, %cond3A_330 : i32
      scf.if %cond3A_331 {
        %sub3A_792 = arith.constant 2 : i32
        %sub3A_793 = arith.subi %add3A_326, %sub3A_792 : i32
        %jit3A_794 = arith.constant 4 : i32
        %div3A_795 = arith.divsi %sub3A_793, %jit3A_794 : i32
        %sign3A_796 = arith.constant 0 : i32
        %sign3A_797 = arith.cmpi sgt, %sub3A_793, %sign3A_796 : i32
        %sign3A_798 = arith.extui %sign3A_797 : i1 to i32
        %sign3A_799 = arith.constant 0 : i32
        %sign3A_800 = arith.cmpi slt, %sub3A_793, %sign3A_799 : i32
        %sign3A_801 = arith.extui %sign3A_800 : i1 to i32
        %sign3A_802 = arith.subi %sign3A_798, %sign3A_801 : i32
        %sign3A_803 = arith.constant 0 : i32
        %sign3A_804 = arith.cmpi sgt, %jit3A_794, %sign3A_803 : i32
        %sign3A_805 = arith.extui %sign3A_804 : i1 to i32
        %sign3A_806 = arith.constant 0 : i32
        %sign3A_807 = arith.cmpi slt, %jit3A_794, %sign3A_806 : i32
        %sign3A_808 = arith.extui %sign3A_807 : i1 to i32
        %sign3A_809 = arith.subi %sign3A_805, %sign3A_808 : i32
        %ne3A_810 = arith.cmpi ne, %sign3A_802, %sign3A_809 : i32
        %rem3A_811 = arith.remsi %sub3A_793, %jit3A_794 : i32
        %ne3A_812 = arith.constant 0 : i32
        %ne3A_813 = arith.cmpi ne, %rem3A_811, %ne3A_812 : i32
        %and3A_814 = arith.andi %ne3A_810, %ne3A_813 : i1
        %sub3A_815 = arith.constant 1 : i32
        %sub3A_816 = arith.subi %div3A_795, %sub3A_815 : i32
        %select_n3A_817 = arith.select %and3A_814, %sub3A_816, %div3A_795 : i32
        %mul3A_818 = arith.constant 4 : i32
        %mul3A_819 = arith.muli %select_n3A_817, %mul3A_818 : i32
        %sub3A_820 = arith.subi %sub3A_793, %mul3A_819 : i32
        %mul3A_821 = arith.constant 2048 : i32
        %mul3A_822 = arith.muli %sub3A_820, %mul3A_821 : i32
        %add3A_823 = arith.addi %mul3A_822, %mul3A_2 : i32
        %mul3A_824 = arith.constant 4 : i32
        %mul3A_825 = arith.muli %select_n3A_817, %mul3A_824 : i32
        %add3A_826 = arith.addi %add3A_823, %mul3A_825 : i32
        %mul3A_827 = arith.constant 4096 : i32
        %mul3A_828 = arith.muli %add3A_826, %mul3A_827 : i32
        %dma_wait3A_829 = tpu.memref_slice %arg4[%mul3A_828] : memref<33554432xf32, #tpu.memory_space<hbm>> -> memref<16384xf32, #tpu.memory_space<hbm>>
        %dma_wait3A_830 = tpu.memref_slice %arg4[%mul3A_828] : memref<33554432xf32, #tpu.memory_space<hbm>> -> memref<16384xf32, #tpu.memory_space<hbm>>
        tpu.wait_dma2 semaphore(%arg18 : memref<!tpu.dma_semaphore, #tpu.memory_space<semaphore_mem>>) src(%arg8 : memref<16384xf32, #tpu.memory_space<vmem>>) dst(%dma_wait3A_830 : memref<16384xf32, #tpu.memory_space<hbm>>)
      } else {
      }
      %add3A_332 = arith.constant 2 : i32
      %add3A_333 = arith.addi %add3A_326, %add3A_332 : i32
      %lt3A_334 = arith.constant 64 : i32
      %lt3A_335 = arith.cmpi slt, %add3A_333, %lt3A_334 : i32
      %convert_element_type3A_336 = arith.extui %lt3A_335 : i1 to i32
      %cond3A_337 = arith.constant 0 : i32
      %cond3A_338 = arith.cmpi ne, %convert_element_type3A_336, %cond3A_337 : i32
      scf.if %cond3A_338 {
        %add3A_792 = arith.constant 2 : i32
        %add3A_793 = arith.addi %add3A_326, %add3A_792 : i32
        %jit3A_794 = arith.constant 4 : i32
        %div3A_795 = arith.divsi %add3A_793, %jit3A_794 : i32
        %sign3A_796 = arith.constant 0 : i32
        %sign3A_797 = arith.cmpi sgt, %add3A_793, %sign3A_796 : i32
        %sign3A_798 = arith.extui %sign3A_797 : i1 to i32
        %sign3A_799 = arith.constant 0 : i32
        %sign3A_800 = arith.cmpi slt, %add3A_793, %sign3A_799 : i32
        %sign3A_801 = arith.extui %sign3A_800 : i1 to i32
        %sign3A_802 = arith.subi %sign3A_798, %sign3A_801 : i32
        %sign3A_803 = arith.constant 0 : i32
        %sign3A_804 = arith.cmpi sgt, %jit3A_794, %sign3A_803 : i32
        %sign3A_805 = arith.extui %sign3A_804 : i1 to i32
        %sign3A_806 = arith.constant 0 : i32
        %sign3A_807 = arith.cmpi slt, %jit3A_794, %sign3A_806 : i32
        %sign3A_808 = arith.extui %sign3A_807 : i1 to i32
        %sign3A_809 = arith.subi %sign3A_805, %sign3A_808 : i32
        %ne3A_810 = arith.cmpi ne, %sign3A_802, %sign3A_809 : i32
        %rem3A_811 = arith.remsi %add3A_793, %jit3A_794 : i32
        %ne3A_812 = arith.constant 0 : i32
        %ne3A_813 = arith.cmpi ne, %rem3A_811, %ne3A_812 : i32
        %and3A_814 = arith.andi %ne3A_810, %ne3A_813 : i1
        %sub3A_815 = arith.constant 1 : i32
        %sub3A_816 = arith.subi %div3A_795, %sub3A_815 : i32
        %select_n3A_817 = arith.select %and3A_814, %sub3A_816, %div3A_795 : i32
        %mul3A_818 = arith.constant 4 : i32
        %mul3A_819 = arith.muli %select_n3A_817, %mul3A_818 : i32
        %sub3A_820 = arith.subi %add3A_793, %mul3A_819 : i32
        %mul3A_821 = arith.constant 2048 : i32
        %mul3A_822 = arith.muli %sub3A_820, %mul3A_821 : i32
        %add3A_823 = arith.addi %mul3A_822, %mul3A_2 : i32
        %mul3A_824 = arith.constant 4 : i32
        %mul3A_825 = arith.muli %select_n3A_817, %mul3A_824 : i32
        %add3A_826 = arith.addi %add3A_823, %mul3A_825 : i32
        %mul3A_827 = arith.constant 4096 : i32
        %mul3A_828 = arith.muli %add3A_826, %mul3A_827 : i32
        %dma_start3A_829 = tpu.memref_slice %arg2[%mul3A_828] : memref<33554432xf32, #tpu.memory_space<hbm>> -> memref<16384xf32, #tpu.memory_space<hbm>>
        %dma_start3A_830 = tpu.memref_slice %arg2[%mul3A_828] : memref<33554432xf32, #tpu.memory_space<hbm>> -> memref<16384xf32, #tpu.memory_space<hbm>>
        tpu.enqueue_dma source(%dma_start3A_830 : memref<16384xf32, #tpu.memory_space<hbm>>) target(%arg8 : memref<16384xf32, #tpu.memory_space<vmem>>) target_semaphore(%arg14 : memref<!tpu.dma_semaphore, #tpu.memory_space<semaphore_mem>>)
      } else {
      }
      %jit3A_339 = arith.constant 4 : i32
      %div3A_340 = arith.divsi %add3A_326, %jit3A_339 : i32
      %sign3A_341 = arith.constant 0 : i32
      %sign3A_342 = arith.cmpi sgt, %add3A_326, %sign3A_341 : i32
      %sign3A_343 = arith.extui %sign3A_342 : i1 to i32
      %sign3A_344 = arith.constant 0 : i32
      %sign3A_345 = arith.cmpi slt, %add3A_326, %sign3A_344 : i32
      %sign3A_346 = arith.extui %sign3A_345 : i1 to i32
      %sign3A_347 = arith.subi %sign3A_343, %sign3A_346 : i32
      %sign3A_348 = arith.constant 0 : i32
      %sign3A_349 = arith.cmpi sgt, %jit3A_339, %sign3A_348 : i32
      %sign3A_350 = arith.extui %sign3A_349 : i1 to i32
      %sign3A_351 = arith.constant 0 : i32
      %sign3A_352 = arith.cmpi slt, %jit3A_339, %sign3A_351 : i32
      %sign3A_353 = arith.extui %sign3A_352 : i1 to i32
      %sign3A_354 = arith.subi %sign3A_350, %sign3A_353 : i32
      %ne3A_355 = arith.cmpi ne, %sign3A_347, %sign3A_354 : i32
      %rem3A_356 = arith.remsi %add3A_326, %jit3A_339 : i32
      %ne3A_357 = arith.constant 0 : i32
      %ne3A_358 = arith.cmpi ne, %rem3A_356, %ne3A_357 : i32
      %and3A_359 = arith.andi %ne3A_355, %ne3A_358 : i1
      %sub3A_360 = arith.constant 1 : i32
      %sub3A_361 = arith.subi %div3A_340, %sub3A_360 : i32
      %select_n3A_362 = arith.select %and3A_359, %sub3A_361, %div3A_340 : i32
      %mul3A_363 = arith.constant 4 : i32
      %mul3A_364 = arith.muli %select_n3A_362, %mul3A_363 : i32
      %sub3A_365 = arith.subi %add3A_326, %mul3A_364 : i32
      %mul3A_366 = arith.constant 2048 : i32
      %mul3A_367 = arith.muli %sub3A_365, %mul3A_366 : i32
      %add3A_368 = arith.addi %mul3A_367, %mul3A_2 : i32
      %mul3A_369 = arith.constant 4 : i32
      %mul3A_370 = arith.muli %select_n3A_362, %mul3A_369 : i32
      %add3A_371 = arith.addi %add3A_368, %mul3A_370 : i32
      %mul3A_372 = arith.constant 4096 : i32
      %mul3A_373 = arith.muli %add3A_371, %mul3A_372 : i32
      %dma_wait3A_374 = tpu.memref_slice %arg2[%mul3A_373] : memref<33554432xf32, #tpu.memory_space<hbm>> -> memref<16384xf32, #tpu.memory_space<hbm>>
      %dma_wait3A_375 = tpu.memref_slice %arg2[%mul3A_373] : memref<33554432xf32, #tpu.memory_space<hbm>> -> memref<16384xf32, #tpu.memory_space<hbm>>
      tpu.wait_dma2 semaphore(%arg16 : memref<!tpu.dma_semaphore, #tpu.memory_space<semaphore_mem>>) src(%dma_wait3A_375 : memref<16384xf32, #tpu.memory_space<hbm>>) dst(%arg10 : memref<16384xf32, #tpu.memory_space<vmem>>)
      %jit3A_376 = arith.constant 4 : i32
      %div3A_377 = arith.divsi %add3A_326, %jit3A_376 : i32
      %sign3A_378 = arith.constant 0 : i32
      %sign3A_379 = arith.cmpi sgt, %add3A_326, %sign3A_378 : i32
      %sign3A_380 = arith.extui %sign3A_379 : i1 to i32
      %sign3A_381 = arith.constant 0 : i32
      %sign3A_382 = arith.cmpi slt, %add3A_326, %sign3A_381 : i32
      %sign3A_383 = arith.extui %sign3A_382 : i1 to i32
      %sign3A_384 = arith.subi %sign3A_380, %sign3A_383 : i32
      %sign3A_385 = arith.constant 0 : i32
      %sign3A_386 = arith.cmpi sgt, %jit3A_376, %sign3A_385 : i32
      %sign3A_387 = arith.extui %sign3A_386 : i1 to i32
      %sign3A_388 = arith.constant 0 : i32
      %sign3A_389 = arith.cmpi slt, %jit3A_376, %sign3A_388 : i32
      %sign3A_390 = arith.extui %sign3A_389 : i1 to i32
      %sign3A_391 = arith.subi %sign3A_387, %sign3A_390 : i32
      %ne3A_392 = arith.cmpi ne, %sign3A_384, %sign3A_391 : i32
      %rem3A_393 = arith.remsi %add3A_326, %jit3A_376 : i32
      %ne3A_394 = arith.constant 0 : i32
      %ne3A_395 = arith.cmpi ne, %rem3A_393, %ne3A_394 : i32
      %and3A_396 = arith.andi %ne3A_392, %ne3A_395 : i1
      %sub3A_397 = arith.constant 1 : i32
      %sub3A_398 = arith.subi %div3A_377, %sub3A_397 : i32
      %select_n3A_399 = arith.select %and3A_396, %sub3A_398, %div3A_377 : i32
      %mul3A_400 = arith.constant 4 : i32
      %mul3A_401 = arith.muli %select_n3A_399, %mul3A_400 : i32
      %sub3A_402 = arith.subi %add3A_326, %mul3A_401 : i32
      %mul3A_403 = arith.constant 2048 : i32
      %mul3A_404 = arith.muli %sub3A_402, %mul3A_403 : i32
      %add3A_405 = arith.addi %mul3A_404, %mul3A_2 : i32
      %mul3A_406 = arith.constant 4 : i32
      %mul3A_407 = arith.muli %select_n3A_399, %mul3A_406 : i32
      %add3A_408 = arith.addi %add3A_405, %mul3A_407 : i32
      %mul3A_409 = arith.constant 4096 : i32
      %mul3A_410 = arith.muli %add3A_408, %mul3A_409 : i32
      %dma_start3A_411 = tpu.memref_slice %arg4[%mul3A_410] : memref<33554432xf32, #tpu.memory_space<hbm>> -> memref<16384xf32, #tpu.memory_space<hbm>>
      %dma_start3A_412 = tpu.memref_slice %arg4[%mul3A_410] : memref<33554432xf32, #tpu.memory_space<hbm>> -> memref<16384xf32, #tpu.memory_space<hbm>>
      tpu.enqueue_dma source(%arg10 : memref<16384xf32, #tpu.memory_space<vmem>>) target(%dma_start3A_412 : memref<16384xf32, #tpu.memory_space<hbm>>) target_semaphore(%arg20 : memref<!tpu.dma_semaphore, #tpu.memory_space<semaphore_mem>>)
      %mul3A_413 = arith.constant 2 : i32
      %mul3A_414 = arith.muli %mul3A_413, %scan3A_45 : i32
      %add3A_415 = arith.constant 1 : i32
      %add3A_416 = arith.addi %mul3A_414, %add3A_415 : i32
      %mul3A_417 = arith.constant 4 : i32
      %mul3A_418 = arith.muli %add3A_416, %mul3A_417 : i32
      %add3A_419 = arith.addi %mul3A_2, %mul3A_418 : i32
      %mul3A_420 = arith.constant 4096 : i32
      %mul3A_421 = arith.muli %add3A_419, %mul3A_420 : i32
      %dma_wait3A_422 = tpu.memref_slice %arg3[%mul3A_421] : memref<8388608xf32, #tpu.memory_space<hbm>> -> memref<16384xf32, #tpu.memory_space<hbm>>
      %dma_wait3A_423 = tpu.memref_slice %arg3[%mul3A_421] : memref<8388608xf32, #tpu.memory_space<hbm>> -> memref<16384xf32, #tpu.memory_space<hbm>>
      tpu.wait_dma2 semaphore(%arg12 : memref<!tpu.dma_semaphore, #tpu.memory_space<semaphore_mem>>) src(%dma_wait3A_423 : memref<16384xf32, #tpu.memory_space<hbm>>) dst(%arg6 : memref<16384xf32, #tpu.memory_space<vmem>>)
      %add3A_424 = arith.constant 1 : i32
      %add3A_425 = arith.addi %add3A_416, %add3A_424 : i32
      %lt3A_426 = arith.constant 16 : i32
      %lt3A_427 = arith.cmpi slt, %add3A_425, %lt3A_426 : i32
      %convert_element_type3A_428 = arith.extui %lt3A_427 : i1 to i32
      %cond3A_429 = arith.constant 0 : i32
      %cond3A_430 = arith.cmpi ne, %convert_element_type3A_428, %cond3A_429 : i32
      scf.if %cond3A_430 {
        %add3A_792 = arith.constant 1 : i32
        %add3A_793 = arith.addi %add3A_416, %add3A_792 : i32
        %mul3A_794 = arith.constant 4 : i32
        %mul3A_795 = arith.muli %add3A_793, %mul3A_794 : i32
        %add3A_796 = arith.addi %mul3A_2, %mul3A_795 : i32
        %mul3A_797 = arith.constant 4096 : i32
        %mul3A_798 = arith.muli %add3A_796, %mul3A_797 : i32
        %dma_start3A_799 = tpu.memref_slice %arg3[%mul3A_798] : memref<8388608xf32, #tpu.memory_space<hbm>> -> memref<16384xf32, #tpu.memory_space<hbm>>
        %dma_start3A_800 = tpu.memref_slice %arg3[%mul3A_798] : memref<8388608xf32, #tpu.memory_space<hbm>> -> memref<16384xf32, #tpu.memory_space<hbm>>
        tpu.enqueue_dma source(%dma_start3A_800 : memref<16384xf32, #tpu.memory_space<hbm>>) target(%arg5 : memref<16384xf32, #tpu.memory_space<vmem>>) target_semaphore(%arg11 : memref<!tpu.dma_semaphore, #tpu.memory_space<semaphore_mem>>)
      } else {
      }
      %mul3A_431 = arith.constant 4 : i32
      %mul3A_432 = arith.muli %mul3A_431, %add3A_416 : i32
      %add3A_433 = arith.constant 0 : i32
      %add3A_434 = arith.addi %mul3A_432, %add3A_433 : i32
      %ge3A_435 = arith.constant 2 : i32
      %ge3A_436 = arith.cmpi sge, %add3A_434, %ge3A_435 : i32
      %convert_element_type3A_437 = arith.extui %ge3A_436 : i1 to i32
      %cond3A_438 = arith.constant 0 : i32
      %cond3A_439 = arith.cmpi ne, %convert_element_type3A_437, %cond3A_438 : i32
      scf.if %cond3A_439 {
        %sub3A_792 = arith.constant 2 : i32
        %sub3A_793 = arith.subi %add3A_434, %sub3A_792 : i32
        %jit3A_794 = arith.constant 4 : i32
        %div3A_795 = arith.divsi %sub3A_793, %jit3A_794 : i32
        %sign3A_796 = arith.constant 0 : i32
        %sign3A_797 = arith.cmpi sgt, %sub3A_793, %sign3A_796 : i32
        %sign3A_798 = arith.extui %sign3A_797 : i1 to i32
        %sign3A_799 = arith.constant 0 : i32
        %sign3A_800 = arith.cmpi slt, %sub3A_793, %sign3A_799 : i32
        %sign3A_801 = arith.extui %sign3A_800 : i1 to i32
        %sign3A_802 = arith.subi %sign3A_798, %sign3A_801 : i32
        %sign3A_803 = arith.constant 0 : i32
        %sign3A_804 = arith.cmpi sgt, %jit3A_794, %sign3A_803 : i32
        %sign3A_805 = arith.extui %sign3A_804 : i1 to i32
        %sign3A_806 = arith.constant 0 : i32
        %sign3A_807 = arith.cmpi slt, %jit3A_794, %sign3A_806 : i32
        %sign3A_808 = arith.extui %sign3A_807 : i1 to i32
        %sign3A_809 = arith.subi %sign3A_805, %sign3A_808 : i32
        %ne3A_810 = arith.cmpi ne, %sign3A_802, %sign3A_809 : i32
        %rem3A_811 = arith.remsi %sub3A_793, %jit3A_794 : i32
        %ne3A_812 = arith.constant 0 : i32
        %ne3A_813 = arith.cmpi ne, %rem3A_811, %ne3A_812 : i32
        %and3A_814 = arith.andi %ne3A_810, %ne3A_813 : i1
        %sub3A_815 = arith.constant 1 : i32
        %sub3A_816 = arith.subi %div3A_795, %sub3A_815 : i32
        %select_n3A_817 = arith.select %and3A_814, %sub3A_816, %div3A_795 : i32
        %mul3A_818 = arith.constant 4 : i32
        %mul3A_819 = arith.muli %select_n3A_817, %mul3A_818 : i32
        %sub3A_820 = arith.subi %sub3A_793, %mul3A_819 : i32
        %mul3A_821 = arith.constant 2048 : i32
        %mul3A_822 = arith.muli %sub3A_820, %mul3A_821 : i32
        %add3A_823 = arith.addi %mul3A_822, %mul3A_2 : i32
        %mul3A_824 = arith.constant 4 : i32
        %mul3A_825 = arith.muli %select_n3A_817, %mul3A_824 : i32
        %add3A_826 = arith.addi %add3A_823, %mul3A_825 : i32
        %mul3A_827 = arith.constant 4096 : i32
        %mul3A_828 = arith.muli %add3A_826, %mul3A_827 : i32
        %dma_wait3A_829 = tpu.memref_slice %arg4[%mul3A_828] : memref<33554432xf32, #tpu.memory_space<hbm>> -> memref<16384xf32, #tpu.memory_space<hbm>>
        %dma_wait3A_830 = tpu.memref_slice %arg4[%mul3A_828] : memref<33554432xf32, #tpu.memory_space<hbm>> -> memref<16384xf32, #tpu.memory_space<hbm>>
        tpu.wait_dma2 semaphore(%arg19 : memref<!tpu.dma_semaphore, #tpu.memory_space<semaphore_mem>>) src(%arg9 : memref<16384xf32, #tpu.memory_space<vmem>>) dst(%dma_wait3A_830 : memref<16384xf32, #tpu.memory_space<hbm>>)
      } else {
      }
      %add3A_440 = arith.constant 2 : i32
      %add3A_441 = arith.addi %add3A_434, %add3A_440 : i32
      %lt3A_442 = arith.constant 64 : i32
      %lt3A_443 = arith.cmpi slt, %add3A_441, %lt3A_442 : i32
      %convert_element_type3A_444 = arith.extui %lt3A_443 : i1 to i32
      %cond3A_445 = arith.constant 0 : i32
      %cond3A_446 = arith.cmpi ne, %convert_element_type3A_444, %cond3A_445 : i32
      scf.if %cond3A_446 {
        %add3A_792 = arith.constant 2 : i32
        %add3A_793 = arith.addi %add3A_434, %add3A_792 : i32
        %jit3A_794 = arith.constant 4 : i32
        %div3A_795 = arith.divsi %add3A_793, %jit3A_794 : i32
        %sign3A_796 = arith.constant 0 : i32
        %sign3A_797 = arith.cmpi sgt, %add3A_793, %sign3A_796 : i32
        %sign3A_798 = arith.extui %sign3A_797 : i1 to i32
        %sign3A_799 = arith.constant 0 : i32
        %sign3A_800 = arith.cmpi slt, %add3A_793, %sign3A_799 : i32
        %sign3A_801 = arith.extui %sign3A_800 : i1 to i32
        %sign3A_802 = arith.subi %sign3A_798, %sign3A_801 : i32
        %sign3A_803 = arith.constant 0 : i32
        %sign3A_804 = arith.cmpi sgt, %jit3A_794, %sign3A_803 : i32
        %sign3A_805 = arith.extui %sign3A_804 : i1 to i32
        %sign3A_806 = arith.constant 0 : i32
        %sign3A_807 = arith.cmpi slt, %jit3A_794, %sign3A_806 : i32
        %sign3A_808 = arith.extui %sign3A_807 : i1 to i32
        %sign3A_809 = arith.subi %sign3A_805, %sign3A_808 : i32
        %ne3A_810 = arith.cmpi ne, %sign3A_802, %sign3A_809 : i32
        %rem3A_811 = arith.remsi %add3A_793, %jit3A_794 : i32
        %ne3A_812 = arith.constant 0 : i32
        %ne3A_813 = arith.cmpi ne, %rem3A_811, %ne3A_812 : i32
        %and3A_814 = arith.andi %ne3A_810, %ne3A_813 : i1
        %sub3A_815 = arith.constant 1 : i32
        %sub3A_816 = arith.subi %div3A_795, %sub3A_815 : i32
        %select_n3A_817 = arith.select %and3A_814, %sub3A_816, %div3A_795 : i32
        %mul3A_818 = arith.constant 4 : i32
        %mul3A_819 = arith.muli %select_n3A_817, %mul3A_818 : i32
        %sub3A_820 = arith.subi %add3A_793, %mul3A_819 : i32
        %mul3A_821 = arith.constant 2048 : i32
        %mul3A_822 = arith.muli %sub3A_820, %mul3A_821 : i32
        %add3A_823 = arith.addi %mul3A_822, %mul3A_2 : i32
        %mul3A_824 = arith.constant 4 : i32
        %mul3A_825 = arith.muli %select_n3A_817, %mul3A_824 : i32
        %add3A_826 = arith.addi %add3A_823, %mul3A_825 : i32
        %mul3A_827 = arith.constant 4096 : i32
        %mul3A_828 = arith.muli %add3A_826, %mul3A_827 : i32
        %dma_start3A_829 = tpu.memref_slice %arg2[%mul3A_828] : memref<33554432xf32, #tpu.memory_space<hbm>> -> memref<16384xf32, #tpu.memory_space<hbm>>
        %dma_start3A_830 = tpu.memref_slice %arg2[%mul3A_828] : memref<33554432xf32, #tpu.memory_space<hbm>> -> memref<16384xf32, #tpu.memory_space<hbm>>
        tpu.enqueue_dma source(%dma_start3A_830 : memref<16384xf32, #tpu.memory_space<hbm>>) target(%arg9 : memref<16384xf32, #tpu.memory_space<vmem>>) target_semaphore(%arg15 : memref<!tpu.dma_semaphore, #tpu.memory_space<semaphore_mem>>)
      } else {
      }
      %jit3A_447 = arith.constant 4 : i32
      %div3A_448 = arith.divsi %add3A_434, %jit3A_447 : i32
      %sign3A_449 = arith.constant 0 : i32
      %sign3A_450 = arith.cmpi sgt, %add3A_434, %sign3A_449 : i32
      %sign3A_451 = arith.extui %sign3A_450 : i1 to i32
      %sign3A_452 = arith.constant 0 : i32
      %sign3A_453 = arith.cmpi slt, %add3A_434, %sign3A_452 : i32
      %sign3A_454 = arith.extui %sign3A_453 : i1 to i32
      %sign3A_455 = arith.subi %sign3A_451, %sign3A_454 : i32
      %sign3A_456 = arith.constant 0 : i32
      %sign3A_457 = arith.cmpi sgt, %jit3A_447, %sign3A_456 : i32
      %sign3A_458 = arith.extui %sign3A_457 : i1 to i32
      %sign3A_459 = arith.constant 0 : i32
      %sign3A_460 = arith.cmpi slt, %jit3A_447, %sign3A_459 : i32
      %sign3A_461 = arith.extui %sign3A_460 : i1 to i32
      %sign3A_462 = arith.subi %sign3A_458, %sign3A_461 : i32
      %ne3A_463 = arith.cmpi ne, %sign3A_455, %sign3A_462 : i32
      %rem3A_464 = arith.remsi %add3A_434, %jit3A_447 : i32
      %ne3A_465 = arith.constant 0 : i32
      %ne3A_466 = arith.cmpi ne, %rem3A_464, %ne3A_465 : i32
      %and3A_467 = arith.andi %ne3A_463, %ne3A_466 : i1
      %sub3A_468 = arith.constant 1 : i32
      %sub3A_469 = arith.subi %div3A_448, %sub3A_468 : i32
      %select_n3A_470 = arith.select %and3A_467, %sub3A_469, %div3A_448 : i32
      %mul3A_471 = arith.constant 4 : i32
      %mul3A_472 = arith.muli %select_n3A_470, %mul3A_471 : i32
      %sub3A_473 = arith.subi %add3A_434, %mul3A_472 : i32
      %mul3A_474 = arith.constant 2048 : i32
      %mul3A_475 = arith.muli %sub3A_473, %mul3A_474 : i32
      %add3A_476 = arith.addi %mul3A_475, %mul3A_2 : i32
      %mul3A_477 = arith.constant 4 : i32
      %mul3A_478 = arith.muli %select_n3A_470, %mul3A_477 : i32
      %add3A_479 = arith.addi %add3A_476, %mul3A_478 : i32
      %mul3A_480 = arith.constant 4096 : i32
      %mul3A_481 = arith.muli %add3A_479, %mul3A_480 : i32
      %dma_wait3A_482 = tpu.memref_slice %arg2[%mul3A_481] : memref<33554432xf32, #tpu.memory_space<hbm>> -> memref<16384xf32, #tpu.memory_space<hbm>>
      %dma_wait3A_483 = tpu.memref_slice %arg2[%mul3A_481] : memref<33554432xf32, #tpu.memory_space<hbm>> -> memref<16384xf32, #tpu.memory_space<hbm>>
      tpu.wait_dma2 semaphore(%arg13 : memref<!tpu.dma_semaphore, #tpu.memory_space<semaphore_mem>>) src(%dma_wait3A_483 : memref<16384xf32, #tpu.memory_space<hbm>>) dst(%arg7 : memref<16384xf32, #tpu.memory_space<vmem>>)
      %jit3A_484 = arith.constant 4 : i32
      %div3A_485 = arith.divsi %add3A_434, %jit3A_484 : i32
      %sign3A_486 = arith.constant 0 : i32
      %sign3A_487 = arith.cmpi sgt, %add3A_434, %sign3A_486 : i32
      %sign3A_488 = arith.extui %sign3A_487 : i1 to i32
      %sign3A_489 = arith.constant 0 : i32
      %sign3A_490 = arith.cmpi slt, %add3A_434, %sign3A_489 : i32
      %sign3A_491 = arith.extui %sign3A_490 : i1 to i32
      %sign3A_492 = arith.subi %sign3A_488, %sign3A_491 : i32
      %sign3A_493 = arith.constant 0 : i32
      %sign3A_494 = arith.cmpi sgt, %jit3A_484, %sign3A_493 : i32
      %sign3A_495 = arith.extui %sign3A_494 : i1 to i32
      %sign3A_496 = arith.constant 0 : i32
      %sign3A_497 = arith.cmpi slt, %jit3A_484, %sign3A_496 : i32
      %sign3A_498 = arith.extui %sign3A_497 : i1 to i32
      %sign3A_499 = arith.subi %sign3A_495, %sign3A_498 : i32
      %ne3A_500 = arith.cmpi ne, %sign3A_492, %sign3A_499 : i32
      %rem3A_501 = arith.remsi %add3A_434, %jit3A_484 : i32
      %ne3A_502 = arith.constant 0 : i32
      %ne3A_503 = arith.cmpi ne, %rem3A_501, %ne3A_502 : i32
      %and3A_504 = arith.andi %ne3A_500, %ne3A_503 : i1
      %sub3A_505 = arith.constant 1 : i32
      %sub3A_506 = arith.subi %div3A_485, %sub3A_505 : i32
      %select_n3A_507 = arith.select %and3A_504, %sub3A_506, %div3A_485 : i32
      %mul3A_508 = arith.constant 4 : i32
      %mul3A_509 = arith.muli %select_n3A_507, %mul3A_508 : i32
      %sub3A_510 = arith.subi %add3A_434, %mul3A_509 : i32
      %mul3A_511 = arith.constant 2048 : i32
      %mul3A_512 = arith.muli %sub3A_510, %mul3A_511 : i32
      %add3A_513 = arith.addi %mul3A_512, %mul3A_2 : i32
      %mul3A_514 = arith.constant 4 : i32
      %mul3A_515 = arith.muli %select_n3A_507, %mul3A_514 : i32
      %add3A_516 = arith.addi %add3A_513, %mul3A_515 : i32
      %mul3A_517 = arith.constant 4096 : i32
      %mul3A_518 = arith.muli %add3A_516, %mul3A_517 : i32
      %dma_start3A_519 = tpu.memref_slice %arg4[%mul3A_518] : memref<33554432xf32, #tpu.memory_space<hbm>> -> memref<16384xf32, #tpu.memory_space<hbm>>
      %dma_start3A_520 = tpu.memref_slice %arg4[%mul3A_518] : memref<33554432xf32, #tpu.memory_space<hbm>> -> memref<16384xf32, #tpu.memory_space<hbm>>
      tpu.enqueue_dma source(%arg7 : memref<16384xf32, #tpu.memory_space<vmem>>) target(%dma_start3A_520 : memref<16384xf32, #tpu.memory_space<hbm>>) target_semaphore(%arg17 : memref<!tpu.dma_semaphore, #tpu.memory_space<semaphore_mem>>)
      %mul3A_521 = arith.constant 4 : i32
      %mul3A_522 = arith.muli %mul3A_521, %add3A_416 : i32
      %add3A_523 = arith.constant 1 : i32
      %add3A_524 = arith.addi %mul3A_522, %add3A_523 : i32
      %ge3A_525 = arith.constant 2 : i32
      %ge3A_526 = arith.cmpi sge, %add3A_524, %ge3A_525 : i32
      %convert_element_type3A_527 = arith.extui %ge3A_526 : i1 to i32
      %cond3A_528 = arith.constant 0 : i32
      %cond3A_529 = arith.cmpi ne, %convert_element_type3A_527, %cond3A_528 : i32
      scf.if %cond3A_529 {
        %sub3A_792 = arith.constant 2 : i32
        %sub3A_793 = arith.subi %add3A_524, %sub3A_792 : i32
        %jit3A_794 = arith.constant 4 : i32
        %div3A_795 = arith.divsi %sub3A_793, %jit3A_794 : i32
        %sign3A_796 = arith.constant 0 : i32
        %sign3A_797 = arith.cmpi sgt, %sub3A_793, %sign3A_796 : i32
        %sign3A_798 = arith.extui %sign3A_797 : i1 to i32
        %sign3A_799 = arith.constant 0 : i32
        %sign3A_800 = arith.cmpi slt, %sub3A_793, %sign3A_799 : i32
        %sign3A_801 = arith.extui %sign3A_800 : i1 to i32
        %sign3A_802 = arith.subi %sign3A_798, %sign3A_801 : i32
        %sign3A_803 = arith.constant 0 : i32
        %sign3A_804 = arith.cmpi sgt, %jit3A_794, %sign3A_803 : i32
        %sign3A_805 = arith.extui %sign3A_804 : i1 to i32
        %sign3A_806 = arith.constant 0 : i32
        %sign3A_807 = arith.cmpi slt, %jit3A_794, %sign3A_806 : i32
        %sign3A_808 = arith.extui %sign3A_807 : i1 to i32
        %sign3A_809 = arith.subi %sign3A_805, %sign3A_808 : i32
        %ne3A_810 = arith.cmpi ne, %sign3A_802, %sign3A_809 : i32
        %rem3A_811 = arith.remsi %sub3A_793, %jit3A_794 : i32
        %ne3A_812 = arith.constant 0 : i32
        %ne3A_813 = arith.cmpi ne, %rem3A_811, %ne3A_812 : i32
        %and3A_814 = arith.andi %ne3A_810, %ne3A_813 : i1
        %sub3A_815 = arith.constant 1 : i32
        %sub3A_816 = arith.subi %div3A_795, %sub3A_815 : i32
        %select_n3A_817 = arith.select %and3A_814, %sub3A_816, %div3A_795 : i32
        %mul3A_818 = arith.constant 4 : i32
        %mul3A_819 = arith.muli %select_n3A_817, %mul3A_818 : i32
        %sub3A_820 = arith.subi %sub3A_793, %mul3A_819 : i32
        %mul3A_821 = arith.constant 2048 : i32
        %mul3A_822 = arith.muli %sub3A_820, %mul3A_821 : i32
        %add3A_823 = arith.addi %mul3A_822, %mul3A_2 : i32
        %mul3A_824 = arith.constant 4 : i32
        %mul3A_825 = arith.muli %select_n3A_817, %mul3A_824 : i32
        %add3A_826 = arith.addi %add3A_823, %mul3A_825 : i32
        %mul3A_827 = arith.constant 4096 : i32
        %mul3A_828 = arith.muli %add3A_826, %mul3A_827 : i32
        %dma_wait3A_829 = tpu.memref_slice %arg4[%mul3A_828] : memref<33554432xf32, #tpu.memory_space<hbm>> -> memref<16384xf32, #tpu.memory_space<hbm>>
        %dma_wait3A_830 = tpu.memref_slice %arg4[%mul3A_828] : memref<33554432xf32, #tpu.memory_space<hbm>> -> memref<16384xf32, #tpu.memory_space<hbm>>
        tpu.wait_dma2 semaphore(%arg20 : memref<!tpu.dma_semaphore, #tpu.memory_space<semaphore_mem>>) src(%arg10 : memref<16384xf32, #tpu.memory_space<vmem>>) dst(%dma_wait3A_830 : memref<16384xf32, #tpu.memory_space<hbm>>)
      } else {
      }
      %add3A_530 = arith.constant 2 : i32
      %add3A_531 = arith.addi %add3A_524, %add3A_530 : i32
      %lt3A_532 = arith.constant 64 : i32
      %lt3A_533 = arith.cmpi slt, %add3A_531, %lt3A_532 : i32
      %convert_element_type3A_534 = arith.extui %lt3A_533 : i1 to i32
      %cond3A_535 = arith.constant 0 : i32
      %cond3A_536 = arith.cmpi ne, %convert_element_type3A_534, %cond3A_535 : i32
      scf.if %cond3A_536 {
        %add3A_792 = arith.constant 2 : i32
        %add3A_793 = arith.addi %add3A_524, %add3A_792 : i32
        %jit3A_794 = arith.constant 4 : i32
        %div3A_795 = arith.divsi %add3A_793, %jit3A_794 : i32
        %sign3A_796 = arith.constant 0 : i32
        %sign3A_797 = arith.cmpi sgt, %add3A_793, %sign3A_796 : i32
        %sign3A_798 = arith.extui %sign3A_797 : i1 to i32
        %sign3A_799 = arith.constant 0 : i32
        %sign3A_800 = arith.cmpi slt, %add3A_793, %sign3A_799 : i32
        %sign3A_801 = arith.extui %sign3A_800 : i1 to i32
        %sign3A_802 = arith.subi %sign3A_798, %sign3A_801 : i32
        %sign3A_803 = arith.constant 0 : i32
        %sign3A_804 = arith.cmpi sgt, %jit3A_794, %sign3A_803 : i32
        %sign3A_805 = arith.extui %sign3A_804 : i1 to i32
        %sign3A_806 = arith.constant 0 : i32
        %sign3A_807 = arith.cmpi slt, %jit3A_794, %sign3A_806 : i32
        %sign3A_808 = arith.extui %sign3A_807 : i1 to i32
        %sign3A_809 = arith.subi %sign3A_805, %sign3A_808 : i32
        %ne3A_810 = arith.cmpi ne, %sign3A_802, %sign3A_809 : i32
        %rem3A_811 = arith.remsi %add3A_793, %jit3A_794 : i32
        %ne3A_812 = arith.constant 0 : i32
        %ne3A_813 = arith.cmpi ne, %rem3A_811, %ne3A_812 : i32
        %and3A_814 = arith.andi %ne3A_810, %ne3A_813 : i1
        %sub3A_815 = arith.constant 1 : i32
        %sub3A_816 = arith.subi %div3A_795, %sub3A_815 : i32
        %select_n3A_817 = arith.select %and3A_814, %sub3A_816, %div3A_795 : i32
        %mul3A_818 = arith.constant 4 : i32
        %mul3A_819 = arith.muli %select_n3A_817, %mul3A_818 : i32
        %sub3A_820 = arith.subi %add3A_793, %mul3A_819 : i32
        %mul3A_821 = arith.constant 2048 : i32
        %mul3A_822 = arith.muli %sub3A_820, %mul3A_821 : i32
        %add3A_823 = arith.addi %mul3A_822, %mul3A_2 : i32
        %mul3A_824 = arith.constant 4 : i32
        %mul3A_825 = arith.muli %select_n3A_817, %mul3A_824 : i32
        %add3A_826 = arith.addi %add3A_823, %mul3A_825 : i32
        %mul3A_827 = arith.constant 4096 : i32
        %mul3A_828 = arith.muli %add3A_826, %mul3A_827 : i32
        %dma_start3A_829 = tpu.memref_slice %arg2[%mul3A_828] : memref<33554432xf32, #tpu.memory_space<hbm>> -> memref<16384xf32, #tpu.memory_space<hbm>>
        %dma_start3A_830 = tpu.memref_slice %arg2[%mul3A_828] : memref<33554432xf32, #tpu.memory_space<hbm>> -> memref<16384xf32, #tpu.memory_space<hbm>>
        tpu.enqueue_dma source(%dma_start3A_830 : memref<16384xf32, #tpu.memory_space<hbm>>) target(%arg10 : memref<16384xf32, #tpu.memory_space<vmem>>) target_semaphore(%arg16 : memref<!tpu.dma_semaphore, #tpu.memory_space<semaphore_mem>>)
      } else {
      }
      %jit3A_537 = arith.constant 4 : i32
      %div3A_538 = arith.divsi %add3A_524, %jit3A_537 : i32
      %sign3A_539 = arith.constant 0 : i32
      %sign3A_540 = arith.cmpi sgt, %add3A_524, %sign3A_539 : i32
      %sign3A_541 = arith.extui %sign3A_540 : i1 to i32
      %sign3A_542 = arith.constant 0 : i32
      %sign3A_543 = arith.cmpi slt, %add3A_524, %sign3A_542 : i32
      %sign3A_544 = arith.extui %sign3A_543 : i1 to i32
      %sign3A_545 = arith.subi %sign3A_541, %sign3A_544 : i32
      %sign3A_546 = arith.constant 0 : i32
      %sign3A_547 = arith.cmpi sgt, %jit3A_537, %sign3A_546 : i32
      %sign3A_548 = arith.extui %sign3A_547 : i1 to i32
      %sign3A_549 = arith.constant 0 : i32
      %sign3A_550 = arith.cmpi slt, %jit3A_537, %sign3A_549 : i32
      %sign3A_551 = arith.extui %sign3A_550 : i1 to i32
      %sign3A_552 = arith.subi %sign3A_548, %sign3A_551 : i32
      %ne3A_553 = arith.cmpi ne, %sign3A_545, %sign3A_552 : i32
      %rem3A_554 = arith.remsi %add3A_524, %jit3A_537 : i32
      %ne3A_555 = arith.constant 0 : i32
      %ne3A_556 = arith.cmpi ne, %rem3A_554, %ne3A_555 : i32
      %and3A_557 = arith.andi %ne3A_553, %ne3A_556 : i1
      %sub3A_558 = arith.constant 1 : i32
      %sub3A_559 = arith.subi %div3A_538, %sub3A_558 : i32
      %select_n3A_560 = arith.select %and3A_557, %sub3A_559, %div3A_538 : i32
      %mul3A_561 = arith.constant 4 : i32
      %mul3A_562 = arith.muli %select_n3A_560, %mul3A_561 : i32
      %sub3A_563 = arith.subi %add3A_524, %mul3A_562 : i32
      %mul3A_564 = arith.constant 2048 : i32
      %mul3A_565 = arith.muli %sub3A_563, %mul3A_564 : i32
      %add3A_566 = arith.addi %mul3A_565, %mul3A_2 : i32
      %mul3A_567 = arith.constant 4 : i32
      %mul3A_568 = arith.muli %select_n3A_560, %mul3A_567 : i32
      %add3A_569 = arith.addi %add3A_566, %mul3A_568 : i32
      %mul3A_570 = arith.constant 4096 : i32
      %mul3A_571 = arith.muli %add3A_569, %mul3A_570 : i32
      %dma_wait3A_572 = tpu.memref_slice %arg2[%mul3A_571] : memref<33554432xf32, #tpu.memory_space<hbm>> -> memref<16384xf32, #tpu.memory_space<hbm>>
      %dma_wait3A_573 = tpu.memref_slice %arg2[%mul3A_571] : memref<33554432xf32, #tpu.memory_space<hbm>> -> memref<16384xf32, #tpu.memory_space<hbm>>
      tpu.wait_dma2 semaphore(%arg14 : memref<!tpu.dma_semaphore, #tpu.memory_space<semaphore_mem>>) src(%dma_wait3A_573 : memref<16384xf32, #tpu.memory_space<hbm>>) dst(%arg8 : memref<16384xf32, #tpu.memory_space<vmem>>)
      %jit3A_574 = arith.constant 4 : i32
      %div3A_575 = arith.divsi %add3A_524, %jit3A_574 : i32
      %sign3A_576 = arith.constant 0 : i32
      %sign3A_577 = arith.cmpi sgt, %add3A_524, %sign3A_576 : i32
      %sign3A_578 = arith.extui %sign3A_577 : i1 to i32
      %sign3A_579 = arith.constant 0 : i32
      %sign3A_580 = arith.cmpi slt, %add3A_524, %sign3A_579 : i32
      %sign3A_581 = arith.extui %sign3A_580 : i1 to i32
      %sign3A_582 = arith.subi %sign3A_578, %sign3A_581 : i32
      %sign3A_583 = arith.constant 0 : i32
      %sign3A_584 = arith.cmpi sgt, %jit3A_574, %sign3A_583 : i32
      %sign3A_585 = arith.extui %sign3A_584 : i1 to i32
      %sign3A_586 = arith.constant 0 : i32
      %sign3A_587 = arith.cmpi slt, %jit3A_574, %sign3A_586 : i32
      %sign3A_588 = arith.extui %sign3A_587 : i1 to i32
      %sign3A_589 = arith.subi %sign3A_585, %sign3A_588 : i32
      %ne3A_590 = arith.cmpi ne, %sign3A_582, %sign3A_589 : i32
      %rem3A_591 = arith.remsi %add3A_524, %jit3A_574 : i32
      %ne3A_592 = arith.constant 0 : i32
      %ne3A_593 = arith.cmpi ne, %rem3A_591, %ne3A_592 : i32
      %and3A_594 = arith.andi %ne3A_590, %ne3A_593 : i1
      %sub3A_595 = arith.constant 1 : i32
      %sub3A_596 = arith.subi %div3A_575, %sub3A_595 : i32
      %select_n3A_597 = arith.select %and3A_594, %sub3A_596, %div3A_575 : i32
      %mul3A_598 = arith.constant 4 : i32
      %mul3A_599 = arith.muli %select_n3A_597, %mul3A_598 : i32
      %sub3A_600 = arith.subi %add3A_524, %mul3A_599 : i32
      %mul3A_601 = arith.constant 2048 : i32
      %mul3A_602 = arith.muli %sub3A_600, %mul3A_601 : i32
      %add3A_603 = arith.addi %mul3A_602, %mul3A_2 : i32
      %mul3A_604 = arith.constant 4 : i32
      %mul3A_605 = arith.muli %select_n3A_597, %mul3A_604 : i32
      %add3A_606 = arith.addi %add3A_603, %mul3A_605 : i32
      %mul3A_607 = arith.constant 4096 : i32
      %mul3A_608 = arith.muli %add3A_606, %mul3A_607 : i32
      %dma_start3A_609 = tpu.memref_slice %arg4[%mul3A_608] : memref<33554432xf32, #tpu.memory_space<hbm>> -> memref<16384xf32, #tpu.memory_space<hbm>>
      %dma_start3A_610 = tpu.memref_slice %arg4[%mul3A_608] : memref<33554432xf32, #tpu.memory_space<hbm>> -> memref<16384xf32, #tpu.memory_space<hbm>>
      tpu.enqueue_dma source(%arg8 : memref<16384xf32, #tpu.memory_space<vmem>>) target(%dma_start3A_610 : memref<16384xf32, #tpu.memory_space<hbm>>) target_semaphore(%arg18 : memref<!tpu.dma_semaphore, #tpu.memory_space<semaphore_mem>>)
      %mul3A_611 = arith.constant 4 : i32
      %mul3A_612 = arith.muli %mul3A_611, %add3A_416 : i32
      %add3A_613 = arith.constant 2 : i32
      %add3A_614 = arith.addi %mul3A_612, %add3A_613 : i32
      %ge3A_615 = arith.constant 2 : i32
      %ge3A_616 = arith.cmpi sge, %add3A_614, %ge3A_615 : i32
      %convert_element_type3A_617 = arith.extui %ge3A_616 : i1 to i32
      %cond3A_618 = arith.constant 0 : i32
      %cond3A_619 = arith.cmpi ne, %convert_element_type3A_617, %cond3A_618 : i32
      scf.if %cond3A_619 {
        %sub3A_792 = arith.constant 2 : i32
        %sub3A_793 = arith.subi %add3A_614, %sub3A_792 : i32
        %jit3A_794 = arith.constant 4 : i32
        %div3A_795 = arith.divsi %sub3A_793, %jit3A_794 : i32
        %sign3A_796 = arith.constant 0 : i32
        %sign3A_797 = arith.cmpi sgt, %sub3A_793, %sign3A_796 : i32
        %sign3A_798 = arith.extui %sign3A_797 : i1 to i32
        %sign3A_799 = arith.constant 0 : i32
        %sign3A_800 = arith.cmpi slt, %sub3A_793, %sign3A_799 : i32
        %sign3A_801 = arith.extui %sign3A_800 : i1 to i32
        %sign3A_802 = arith.subi %sign3A_798, %sign3A_801 : i32
        %sign3A_803 = arith.constant 0 : i32
        %sign3A_804 = arith.cmpi sgt, %jit3A_794, %sign3A_803 : i32
        %sign3A_805 = arith.extui %sign3A_804 : i1 to i32
        %sign3A_806 = arith.constant 0 : i32
        %sign3A_807 = arith.cmpi slt, %jit3A_794, %sign3A_806 : i32
        %sign3A_808 = arith.extui %sign3A_807 : i1 to i32
        %sign3A_809 = arith.subi %sign3A_805, %sign3A_808 : i32
        %ne3A_810 = arith.cmpi ne, %sign3A_802, %sign3A_809 : i32
        %rem3A_811 = arith.remsi %sub3A_793, %jit3A_794 : i32
        %ne3A_812 = arith.constant 0 : i32
        %ne3A_813 = arith.cmpi ne, %rem3A_811, %ne3A_812 : i32
        %and3A_814 = arith.andi %ne3A_810, %ne3A_813 : i1
        %sub3A_815 = arith.constant 1 : i32
        %sub3A_816 = arith.subi %div3A_795, %sub3A_815 : i32
        %select_n3A_817 = arith.select %and3A_814, %sub3A_816, %div3A_795 : i32
        %mul3A_818 = arith.constant 4 : i32
        %mul3A_819 = arith.muli %select_n3A_817, %mul3A_818 : i32
        %sub3A_820 = arith.subi %sub3A_793, %mul3A_819 : i32
        %mul3A_821 = arith.constant 2048 : i32
        %mul3A_822 = arith.muli %sub3A_820, %mul3A_821 : i32
        %add3A_823 = arith.addi %mul3A_822, %mul3A_2 : i32
        %mul3A_824 = arith.constant 4 : i32
        %mul3A_825 = arith.muli %select_n3A_817, %mul3A_824 : i32
        %add3A_826 = arith.addi %add3A_823, %mul3A_825 : i32
        %mul3A_827 = arith.constant 4096 : i32
        %mul3A_828 = arith.muli %add3A_826, %mul3A_827 : i32
        %dma_wait3A_829 = tpu.memref_slice %arg4[%mul3A_828] : memref<33554432xf32, #tpu.memory_space<hbm>> -> memref<16384xf32, #tpu.memory_space<hbm>>
        %dma_wait3A_830 = tpu.memref_slice %arg4[%mul3A_828] : memref<33554432xf32, #tpu.memory_space<hbm>> -> memref<16384xf32, #tpu.memory_space<hbm>>
        tpu.wait_dma2 semaphore(%arg17 : memref<!tpu.dma_semaphore, #tpu.memory_space<semaphore_mem>>) src(%arg7 : memref<16384xf32, #tpu.memory_space<vmem>>) dst(%dma_wait3A_830 : memref<16384xf32, #tpu.memory_space<hbm>>)
      } else {
      }
      %add3A_620 = arith.constant 2 : i32
      %add3A_621 = arith.addi %add3A_614, %add3A_620 : i32
      %lt3A_622 = arith.constant 64 : i32
      %lt3A_623 = arith.cmpi slt, %add3A_621, %lt3A_622 : i32
      %convert_element_type3A_624 = arith.extui %lt3A_623 : i1 to i32
      %cond3A_625 = arith.constant 0 : i32
      %cond3A_626 = arith.cmpi ne, %convert_element_type3A_624, %cond3A_625 : i32
      scf.if %cond3A_626 {
        %add3A_792 = arith.constant 2 : i32
        %add3A_793 = arith.addi %add3A_614, %add3A_792 : i32
        %jit3A_794 = arith.constant 4 : i32
        %div3A_795 = arith.divsi %add3A_793, %jit3A_794 : i32
        %sign3A_796 = arith.constant 0 : i32
        %sign3A_797 = arith.cmpi sgt, %add3A_793, %sign3A_796 : i32
        %sign3A_798 = arith.extui %sign3A_797 : i1 to i32
        %sign3A_799 = arith.constant 0 : i32
        %sign3A_800 = arith.cmpi slt, %add3A_793, %sign3A_799 : i32
        %sign3A_801 = arith.extui %sign3A_800 : i1 to i32
        %sign3A_802 = arith.subi %sign3A_798, %sign3A_801 : i32
        %sign3A_803 = arith.constant 0 : i32
        %sign3A_804 = arith.cmpi sgt, %jit3A_794, %sign3A_803 : i32
        %sign3A_805 = arith.extui %sign3A_804 : i1 to i32
        %sign3A_806 = arith.constant 0 : i32
        %sign3A_807 = arith.cmpi slt, %jit3A_794, %sign3A_806 : i32
        %sign3A_808 = arith.extui %sign3A_807 : i1 to i32
        %sign3A_809 = arith.subi %sign3A_805, %sign3A_808 : i32
        %ne3A_810 = arith.cmpi ne, %sign3A_802, %sign3A_809 : i32
        %rem3A_811 = arith.remsi %add3A_793, %jit3A_794 : i32
        %ne3A_812 = arith.constant 0 : i32
        %ne3A_813 = arith.cmpi ne, %rem3A_811, %ne3A_812 : i32
        %and3A_814 = arith.andi %ne3A_810, %ne3A_813 : i1
        %sub3A_815 = arith.constant 1 : i32
        %sub3A_816 = arith.subi %div3A_795, %sub3A_815 : i32
        %select_n3A_817 = arith.select %and3A_814, %sub3A_816, %div3A_795 : i32
        %mul3A_818 = arith.constant 4 : i32
        %mul3A_819 = arith.muli %select_n3A_817, %mul3A_818 : i32
        %sub3A_820 = arith.subi %add3A_793, %mul3A_819 : i32
        %mul3A_821 = arith.constant 2048 : i32
        %mul3A_822 = arith.muli %sub3A_820, %mul3A_821 : i32
        %add3A_823 = arith.addi %mul3A_822, %mul3A_2 : i32
        %mul3A_824 = arith.constant 4 : i32
        %mul3A_825 = arith.muli %select_n3A_817, %mul3A_824 : i32
        %add3A_826 = arith.addi %add3A_823, %mul3A_825 : i32
        %mul3A_827 = arith.constant 4096 : i32
        %mul3A_828 = arith.muli %add3A_826, %mul3A_827 : i32
        %dma_start3A_829 = tpu.memref_slice %arg2[%mul3A_828] : memref<33554432xf32, #tpu.memory_space<hbm>> -> memref<16384xf32, #tpu.memory_space<hbm>>
        %dma_start3A_830 = tpu.memref_slice %arg2[%mul3A_828] : memref<33554432xf32, #tpu.memory_space<hbm>> -> memref<16384xf32, #tpu.memory_space<hbm>>
        tpu.enqueue_dma source(%dma_start3A_830 : memref<16384xf32, #tpu.memory_space<hbm>>) target(%arg7 : memref<16384xf32, #tpu.memory_space<vmem>>) target_semaphore(%arg13 : memref<!tpu.dma_semaphore, #tpu.memory_space<semaphore_mem>>)
      } else {
      }
      %jit3A_627 = arith.constant 4 : i32
      %div3A_628 = arith.divsi %add3A_614, %jit3A_627 : i32
      %sign3A_629 = arith.constant 0 : i32
      %sign3A_630 = arith.cmpi sgt, %add3A_614, %sign3A_629 : i32
      %sign3A_631 = arith.extui %sign3A_630 : i1 to i32
      %sign3A_632 = arith.constant 0 : i32
      %sign3A_633 = arith.cmpi slt, %add3A_614, %sign3A_632 : i32
      %sign3A_634 = arith.extui %sign3A_633 : i1 to i32
      %sign3A_635 = arith.subi %sign3A_631, %sign3A_634 : i32
      %sign3A_636 = arith.constant 0 : i32
      %sign3A_637 = arith.cmpi sgt, %jit3A_627, %sign3A_636 : i32
      %sign3A_638 = arith.extui %sign3A_637 : i1 to i32
      %sign3A_639 = arith.constant 0 : i32
      %sign3A_640 = arith.cmpi slt, %jit3A_627, %sign3A_639 : i32
      %sign3A_641 = arith.extui %sign3A_640 : i1 to i32
      %sign3A_642 = arith.subi %sign3A_638, %sign3A_641 : i32
      %ne3A_643 = arith.cmpi ne, %sign3A_635, %sign3A_642 : i32
      %rem3A_644 = arith.remsi %add3A_614, %jit3A_627 : i32
      %ne3A_645 = arith.constant 0 : i32
      %ne3A_646 = arith.cmpi ne, %rem3A_644, %ne3A_645 : i32
      %and3A_647 = arith.andi %ne3A_643, %ne3A_646 : i1
      %sub3A_648 = arith.constant 1 : i32
      %sub3A_649 = arith.subi %div3A_628, %sub3A_648 : i32
      %select_n3A_650 = arith.select %and3A_647, %sub3A_649, %div3A_628 : i32
      %mul3A_651 = arith.constant 4 : i32
      %mul3A_652 = arith.muli %select_n3A_650, %mul3A_651 : i32
      %sub3A_653 = arith.subi %add3A_614, %mul3A_652 : i32
      %mul3A_654 = arith.constant 2048 : i32
      %mul3A_655 = arith.muli %sub3A_653, %mul3A_654 : i32
      %add3A_656 = arith.addi %mul3A_655, %mul3A_2 : i32
      %mul3A_657 = arith.constant 4 : i32
      %mul3A_658 = arith.muli %select_n3A_650, %mul3A_657 : i32
      %add3A_659 = arith.addi %add3A_656, %mul3A_658 : i32
      %mul3A_660 = arith.constant 4096 : i32
      %mul3A_661 = arith.muli %add3A_659, %mul3A_660 : i32
      %dma_wait3A_662 = tpu.memref_slice %arg2[%mul3A_661] : memref<33554432xf32, #tpu.memory_space<hbm>> -> memref<16384xf32, #tpu.memory_space<hbm>>
      %dma_wait3A_663 = tpu.memref_slice %arg2[%mul3A_661] : memref<33554432xf32, #tpu.memory_space<hbm>> -> memref<16384xf32, #tpu.memory_space<hbm>>
      tpu.wait_dma2 semaphore(%arg15 : memref<!tpu.dma_semaphore, #tpu.memory_space<semaphore_mem>>) src(%dma_wait3A_663 : memref<16384xf32, #tpu.memory_space<hbm>>) dst(%arg9 : memref<16384xf32, #tpu.memory_space<vmem>>)
      %jit3A_664 = arith.constant 4 : i32
      %div3A_665 = arith.divsi %add3A_614, %jit3A_664 : i32
      %sign3A_666 = arith.constant 0 : i32
      %sign3A_667 = arith.cmpi sgt, %add3A_614, %sign3A_666 : i32
      %sign3A_668 = arith.extui %sign3A_667 : i1 to i32
      %sign3A_669 = arith.constant 0 : i32
      %sign3A_670 = arith.cmpi slt, %add3A_614, %sign3A_669 : i32
      %sign3A_671 = arith.extui %sign3A_670 : i1 to i32
      %sign3A_672 = arith.subi %sign3A_668, %sign3A_671 : i32
      %sign3A_673 = arith.constant 0 : i32
      %sign3A_674 = arith.cmpi sgt, %jit3A_664, %sign3A_673 : i32
      %sign3A_675 = arith.extui %sign3A_674 : i1 to i32
      %sign3A_676 = arith.constant 0 : i32
      %sign3A_677 = arith.cmpi slt, %jit3A_664, %sign3A_676 : i32
      %sign3A_678 = arith.extui %sign3A_677 : i1 to i32
      %sign3A_679 = arith.subi %sign3A_675, %sign3A_678 : i32
      %ne3A_680 = arith.cmpi ne, %sign3A_672, %sign3A_679 : i32
      %rem3A_681 = arith.remsi %add3A_614, %jit3A_664 : i32
      %ne3A_682 = arith.constant 0 : i32
      %ne3A_683 = arith.cmpi ne, %rem3A_681, %ne3A_682 : i32
      %and3A_684 = arith.andi %ne3A_680, %ne3A_683 : i1
      %sub3A_685 = arith.constant 1 : i32
      %sub3A_686 = arith.subi %div3A_665, %sub3A_685 : i32
      %select_n3A_687 = arith.select %and3A_684, %sub3A_686, %div3A_665 : i32
      %mul3A_688 = arith.constant 4 : i32
      %mul3A_689 = arith.muli %select_n3A_687, %mul3A_688 : i32
      %sub3A_690 = arith.subi %add3A_614, %mul3A_689 : i32
      %mul3A_691 = arith.constant 2048 : i32
      %mul3A_692 = arith.muli %sub3A_690, %mul3A_691 : i32
      %add3A_693 = arith.addi %mul3A_692, %mul3A_2 : i32
      %mul3A_694 = arith.constant 4 : i32
      %mul3A_695 = arith.muli %select_n3A_687, %mul3A_694 : i32
      %add3A_696 = arith.addi %add3A_693, %mul3A_695 : i32
      %mul3A_697 = arith.constant 4096 : i32
      %mul3A_698 = arith.muli %add3A_696, %mul3A_697 : i32
      %dma_start3A_699 = tpu.memref_slice %arg4[%mul3A_698] : memref<33554432xf32, #tpu.memory_space<hbm>> -> memref<16384xf32, #tpu.memory_space<hbm>>
      %dma_start3A_700 = tpu.memref_slice %arg4[%mul3A_698] : memref<33554432xf32, #tpu.memory_space<hbm>> -> memref<16384xf32, #tpu.memory_space<hbm>>
      tpu.enqueue_dma source(%arg9 : memref<16384xf32, #tpu.memory_space<vmem>>) target(%dma_start3A_700 : memref<16384xf32, #tpu.memory_space<hbm>>) target_semaphore(%arg19 : memref<!tpu.dma_semaphore, #tpu.memory_space<semaphore_mem>>)
      %mul3A_701 = arith.constant 4 : i32
      %mul3A_702 = arith.muli %mul3A_701, %add3A_416 : i32
      %add3A_703 = arith.constant 3 : i32
      %add3A_704 = arith.addi %mul3A_702, %add3A_703 : i32
      %ge3A_705 = arith.constant 2 : i32
      %ge3A_706 = arith.cmpi sge, %add3A_704, %ge3A_705 : i32
      %convert_element_type3A_707 = arith.extui %ge3A_706 : i1 to i32
      %cond3A_708 = arith.constant 0 : i32
      %cond3A_709 = arith.cmpi ne, %convert_element_type3A_707, %cond3A_708 : i32
      scf.if %cond3A_709 {
        %sub3A_792 = arith.constant 2 : i32
        %sub3A_793 = arith.subi %add3A_704, %sub3A_792 : i32
        %jit3A_794 = arith.constant 4 : i32
        %div3A_795 = arith.divsi %sub3A_793, %jit3A_794 : i32
        %sign3A_796 = arith.constant 0 : i32
        %sign3A_797 = arith.cmpi sgt, %sub3A_793, %sign3A_796 : i32
        %sign3A_798 = arith.extui %sign3A_797 : i1 to i32
        %sign3A_799 = arith.constant 0 : i32
        %sign3A_800 = arith.cmpi slt, %sub3A_793, %sign3A_799 : i32
        %sign3A_801 = arith.extui %sign3A_800 : i1 to i32
        %sign3A_802 = arith.subi %sign3A_798, %sign3A_801 : i32
        %sign3A_803 = arith.constant 0 : i32
        %sign3A_804 = arith.cmpi sgt, %jit3A_794, %sign3A_803 : i32
        %sign3A_805 = arith.extui %sign3A_804 : i1 to i32
        %sign3A_806 = arith.constant 0 : i32
        %sign3A_807 = arith.cmpi slt, %jit3A_794, %sign3A_806 : i32
        %sign3A_808 = arith.extui %sign3A_807 : i1 to i32
        %sign3A_809 = arith.subi %sign3A_805, %sign3A_808 : i32
        %ne3A_810 = arith.cmpi ne, %sign3A_802, %sign3A_809 : i32
        %rem3A_811 = arith.remsi %sub3A_793, %jit3A_794 : i32
        %ne3A_812 = arith.constant 0 : i32
        %ne3A_813 = arith.cmpi ne, %rem3A_811, %ne3A_812 : i32
        %and3A_814 = arith.andi %ne3A_810, %ne3A_813 : i1
        %sub3A_815 = arith.constant 1 : i32
        %sub3A_816 = arith.subi %div3A_795, %sub3A_815 : i32
        %select_n3A_817 = arith.select %and3A_814, %sub3A_816, %div3A_795 : i32
        %mul3A_818 = arith.constant 4 : i32
        %mul3A_819 = arith.muli %select_n3A_817, %mul3A_818 : i32
        %sub3A_820 = arith.subi %sub3A_793, %mul3A_819 : i32
        %mul3A_821 = arith.constant 2048 : i32
        %mul3A_822 = arith.muli %sub3A_820, %mul3A_821 : i32
        %add3A_823 = arith.addi %mul3A_822, %mul3A_2 : i32
        %mul3A_824 = arith.constant 4 : i32
        %mul3A_825 = arith.muli %select_n3A_817, %mul3A_824 : i32
        %add3A_826 = arith.addi %add3A_823, %mul3A_825 : i32
        %mul3A_827 = arith.constant 4096 : i32
        %mul3A_828 = arith.muli %add3A_826, %mul3A_827 : i32
        %dma_wait3A_829 = tpu.memref_slice %arg4[%mul3A_828] : memref<33554432xf32, #tpu.memory_space<hbm>> -> memref<16384xf32, #tpu.memory_space<hbm>>
        %dma_wait3A_830 = tpu.memref_slice %arg4[%mul3A_828] : memref<33554432xf32, #tpu.memory_space<hbm>> -> memref<16384xf32, #tpu.memory_space<hbm>>
        tpu.wait_dma2 semaphore(%arg18 : memref<!tpu.dma_semaphore, #tpu.memory_space<semaphore_mem>>) src(%arg8 : memref<16384xf32, #tpu.memory_space<vmem>>) dst(%dma_wait3A_830 : memref<16384xf32, #tpu.memory_space<hbm>>)
      } else {
      }
      %add3A_710 = arith.constant 2 : i32
      %add3A_711 = arith.addi %add3A_704, %add3A_710 : i32
      %lt3A_712 = arith.constant 64 : i32
      %lt3A_713 = arith.cmpi slt, %add3A_711, %lt3A_712 : i32
      %convert_element_type3A_714 = arith.extui %lt3A_713 : i1 to i32
      %cond3A_715 = arith.constant 0 : i32
      %cond3A_716 = arith.cmpi ne, %convert_element_type3A_714, %cond3A_715 : i32
      scf.if %cond3A_716 {
        %add3A_792 = arith.constant 2 : i32
        %add3A_793 = arith.addi %add3A_704, %add3A_792 : i32
        %jit3A_794 = arith.constant 4 : i32
        %div3A_795 = arith.divsi %add3A_793, %jit3A_794 : i32
        %sign3A_796 = arith.constant 0 : i32
        %sign3A_797 = arith.cmpi sgt, %add3A_793, %sign3A_796 : i32
        %sign3A_798 = arith.extui %sign3A_797 : i1 to i32
        %sign3A_799 = arith.constant 0 : i32
        %sign3A_800 = arith.cmpi slt, %add3A_793, %sign3A_799 : i32
        %sign3A_801 = arith.extui %sign3A_800 : i1 to i32
        %sign3A_802 = arith.subi %sign3A_798, %sign3A_801 : i32
        %sign3A_803 = arith.constant 0 : i32
        %sign3A_804 = arith.cmpi sgt, %jit3A_794, %sign3A_803 : i32
        %sign3A_805 = arith.extui %sign3A_804 : i1 to i32
        %sign3A_806 = arith.constant 0 : i32
        %sign3A_807 = arith.cmpi slt, %jit3A_794, %sign3A_806 : i32
        %sign3A_808 = arith.extui %sign3A_807 : i1 to i32
        %sign3A_809 = arith.subi %sign3A_805, %sign3A_808 : i32
        %ne3A_810 = arith.cmpi ne, %sign3A_802, %sign3A_809 : i32
        %rem3A_811 = arith.remsi %add3A_793, %jit3A_794 : i32
        %ne3A_812 = arith.constant 0 : i32
        %ne3A_813 = arith.cmpi ne, %rem3A_811, %ne3A_812 : i32
        %and3A_814 = arith.andi %ne3A_810, %ne3A_813 : i1
        %sub3A_815 = arith.constant 1 : i32
        %sub3A_816 = arith.subi %div3A_795, %sub3A_815 : i32
        %select_n3A_817 = arith.select %and3A_814, %sub3A_816, %div3A_795 : i32
        %mul3A_818 = arith.constant 4 : i32
        %mul3A_819 = arith.muli %select_n3A_817, %mul3A_818 : i32
        %sub3A_820 = arith.subi %add3A_793, %mul3A_819 : i32
        %mul3A_821 = arith.constant 2048 : i32
        %mul3A_822 = arith.muli %sub3A_820, %mul3A_821 : i32
        %add3A_823 = arith.addi %mul3A_822, %mul3A_2 : i32
        %mul3A_824 = arith.constant 4 : i32
        %mul3A_825 = arith.muli %select_n3A_817, %mul3A_824 : i32
        %add3A_826 = arith.addi %add3A_823, %mul3A_825 : i32
        %mul3A_827 = arith.constant 4096 : i32
        %mul3A_828 = arith.muli %add3A_826, %mul3A_827 : i32
        %dma_start3A_829 = tpu.memref_slice %arg2[%mul3A_828] : memref<33554432xf32, #tpu.memory_space<hbm>> -> memref<16384xf32, #tpu.memory_space<hbm>>
        %dma_start3A_830 = tpu.memref_slice %arg2[%mul3A_828] : memref<33554432xf32, #tpu.memory_space<hbm>> -> memref<16384xf32, #tpu.memory_space<hbm>>
        tpu.enqueue_dma source(%dma_start3A_830 : memref<16384xf32, #tpu.memory_space<hbm>>) target(%arg8 : memref<16384xf32, #tpu.memory_space<vmem>>) target_semaphore(%arg14 : memref<!tpu.dma_semaphore, #tpu.memory_space<semaphore_mem>>)
      } else {
      }
      %jit3A_717 = arith.constant 4 : i32
      %div3A_718 = arith.divsi %add3A_704, %jit3A_717 : i32
      %sign3A_719 = arith.constant 0 : i32
      %sign3A_720 = arith.cmpi sgt, %add3A_704, %sign3A_719 : i32
      %sign3A_721 = arith.extui %sign3A_720 : i1 to i32
      %sign3A_722 = arith.constant 0 : i32
      %sign3A_723 = arith.cmpi slt, %add3A_704, %sign3A_722 : i32
      %sign3A_724 = arith.extui %sign3A_723 : i1 to i32
      %sign3A_725 = arith.subi %sign3A_721, %sign3A_724 : i32
      %sign3A_726 = arith.constant 0 : i32
      %sign3A_727 = arith.cmpi sgt, %jit3A_717, %sign3A_726 : i32
      %sign3A_728 = arith.extui %sign3A_727 : i1 to i32
      %sign3A_729 = arith.constant 0 : i32
      %sign3A_730 = arith.cmpi slt, %jit3A_717, %sign3A_729 : i32
      %sign3A_731 = arith.extui %sign3A_730 : i1 to i32
      %sign3A_732 = arith.subi %sign3A_728, %sign3A_731 : i32
      %ne3A_733 = arith.cmpi ne, %sign3A_725, %sign3A_732 : i32
      %rem3A_734 = arith.remsi %add3A_704, %jit3A_717 : i32
      %ne3A_735 = arith.constant 0 : i32
      %ne3A_736 = arith.cmpi ne, %rem3A_734, %ne3A_735 : i32
      %and3A_737 = arith.andi %ne3A_733, %ne3A_736 : i1
      %sub3A_738 = arith.constant 1 : i32
      %sub3A_739 = arith.subi %div3A_718, %sub3A_738 : i32
      %select_n3A_740 = arith.select %and3A_737, %sub3A_739, %div3A_718 : i32
      %mul3A_741 = arith.constant 4 : i32
      %mul3A_742 = arith.muli %select_n3A_740, %mul3A_741 : i32
      %sub3A_743 = arith.subi %add3A_704, %mul3A_742 : i32
      %mul3A_744 = arith.constant 2048 : i32
      %mul3A_745 = arith.muli %sub3A_743, %mul3A_744 : i32
      %add3A_746 = arith.addi %mul3A_745, %mul3A_2 : i32
      %mul3A_747 = arith.constant 4 : i32
      %mul3A_748 = arith.muli %select_n3A_740, %mul3A_747 : i32
      %add3A_749 = arith.addi %add3A_746, %mul3A_748 : i32
      %mul3A_750 = arith.constant 4096 : i32
      %mul3A_751 = arith.muli %add3A_749, %mul3A_750 : i32
      %dma_wait3A_752 = tpu.memref_slice %arg2[%mul3A_751] : memref<33554432xf32, #tpu.memory_space<hbm>> -> memref<16384xf32, #tpu.memory_space<hbm>>
      %dma_wait3A_753 = tpu.memref_slice %arg2[%mul3A_751] : memref<33554432xf32, #tpu.memory_space<hbm>> -> memref<16384xf32, #tpu.memory_space<hbm>>
      tpu.wait_dma2 semaphore(%arg16 : memref<!tpu.dma_semaphore, #tpu.memory_space<semaphore_mem>>) src(%dma_wait3A_753 : memref<16384xf32, #tpu.memory_space<hbm>>) dst(%arg10 : memref<16384xf32, #tpu.memory_space<vmem>>)
      %jit3A_754 = arith.constant 4 : i32
      %div3A_755 = arith.divsi %add3A_704, %jit3A_754 : i32
      %sign3A_756 = arith.constant 0 : i32
      %sign3A_757 = arith.cmpi sgt, %add3A_704, %sign3A_756 : i32
      %sign3A_758 = arith.extui %sign3A_757 : i1 to i32
      %sign3A_759 = arith.constant 0 : i32
      %sign3A_760 = arith.cmpi slt, %add3A_704, %sign3A_759 : i32
      %sign3A_761 = arith.extui %sign3A_760 : i1 to i32
      %sign3A_762 = arith.subi %sign3A_758, %sign3A_761 : i32
      %sign3A_763 = arith.constant 0 : i32
      %sign3A_764 = arith.cmpi sgt, %jit3A_754, %sign3A_763 : i32
      %sign3A_765 = arith.extui %sign3A_764 : i1 to i32
      %sign3A_766 = arith.constant 0 : i32
      %sign3A_767 = arith.cmpi slt, %jit3A_754, %sign3A_766 : i32
      %sign3A_768 = arith.extui %sign3A_767 : i1 to i32
      %sign3A_769 = arith.subi %sign3A_765, %sign3A_768 : i32
      %ne3A_770 = arith.cmpi ne, %sign3A_762, %sign3A_769 : i32
      %rem3A_771 = arith.remsi %add3A_704, %jit3A_754 : i32
      %ne3A_772 = arith.constant 0 : i32
      %ne3A_773 = arith.cmpi ne, %rem3A_771, %ne3A_772 : i32
      %and3A_774 = arith.andi %ne3A_770, %ne3A_773 : i1
      %sub3A_775 = arith.constant 1 : i32
      %sub3A_776 = arith.subi %div3A_755, %sub3A_775 : i32
      %select_n3A_777 = arith.select %and3A_774, %sub3A_776, %div3A_755 : i32
      %mul3A_778 = arith.constant 4 : i32
      %mul3A_779 = arith.muli %select_n3A_777, %mul3A_778 : i32
      %sub3A_780 = arith.subi %add3A_704, %mul3A_779 : i32
      %mul3A_781 = arith.constant 2048 : i32
      %mul3A_782 = arith.muli %sub3A_780, %mul3A_781 : i32
      %add3A_783 = arith.addi %mul3A_782, %mul3A_2 : i32
      %mul3A_784 = arith.constant 4 : i32
      %mul3A_785 = arith.muli %select_n3A_777, %mul3A_784 : i32
      %add3A_786 = arith.addi %add3A_783, %mul3A_785 : i32
      %mul3A_787 = arith.constant 4096 : i32
      %mul3A_788 = arith.muli %add3A_786, %mul3A_787 : i32
      %dma_start3A_789 = tpu.memref_slice %arg4[%mul3A_788] : memref<33554432xf32, #tpu.memory_space<hbm>> -> memref<16384xf32, #tpu.memory_space<hbm>>
      %dma_start3A_790 = tpu.memref_slice %arg4[%mul3A_788] : memref<33554432xf32, #tpu.memory_space<hbm>> -> memref<16384xf32, #tpu.memory_space<hbm>>
      tpu.enqueue_dma source(%arg10 : memref<16384xf32, #tpu.memory_space<vmem>>) target(%dma_start3A_790 : memref<16384xf32, #tpu.memory_space<hbm>>) target_semaphore(%arg20 : memref<!tpu.dma_semaphore, #tpu.memory_space<semaphore_mem>>)
      %scan3A_791 = arith.constant 0 : i32
      scf.yield %scan3A_791 : i32
    }
    %scan3A_29 = arith.constant 8 : i32
    %add3A_30 = arith.constant 4096 : i32
    %add3A_31 = arith.addi %add3A_30, %mul3A_2 : i32
    %add3A_32 = arith.constant 60 : i32
    %add3A_33 = arith.addi %add3A_31, %add3A_32 : i32
    %mul3A_34 = arith.constant 4096 : i32
    %mul3A_35 = arith.muli %add3A_33, %mul3A_34 : i32
    %dma_wait3A = tpu.memref_slice %arg4[%mul3A_35] : memref<33554432xf32, #tpu.memory_space<hbm>> -> memref<16384xf32, #tpu.memory_space<hbm>>
    %dma_wait3A_36 = tpu.memref_slice %arg4[%mul3A_35] : memref<33554432xf32, #tpu.memory_space<hbm>> -> memref<16384xf32, #tpu.memory_space<hbm>>
    tpu.wait_dma2 semaphore(%arg19 : memref<!tpu.dma_semaphore, #tpu.memory_space<semaphore_mem>>) src(%arg9 : memref<16384xf32, #tpu.memory_space<vmem>>) dst(%dma_wait3A_36 : memref<16384xf32, #tpu.memory_space<hbm>>)
    %add3A_37 = arith.constant 6144 : i32
    %add3A_38 = arith.addi %add3A_37, %mul3A_2 : i32
    %add3A_39 = arith.constant 60 : i32
    %add3A_40 = arith.addi %add3A_38, %add3A_39 : i32
    %mul3A_41 = arith.constant 4096 : i32
    %mul3A_42 = arith.muli %add3A_40, %mul3A_41 : i32
    %dma_wait3A_43 = tpu.memref_slice %arg4[%mul3A_42] : memref<33554432xf32, #tpu.memory_space<hbm>> -> memref<16384xf32, #tpu.memory_space<hbm>>
    %dma_wait3A_44 = tpu.memref_slice %arg4[%mul3A_42] : memref<33554432xf32, #tpu.memory_space<hbm>> -> memref<16384xf32, #tpu.memory_space<hbm>>
    tpu.wait_dma2 semaphore(%arg20 : memref<!tpu.dma_semaphore, #tpu.memory_space<semaphore_mem>>) src(%arg10 : memref<16384xf32, #tpu.memory_space<vmem>>) dst(%dma_wait3A_44 : memref<16384xf32, #tpu.memory_space<hbm>>)
    return
  }
}

</mosaic_0001>

<sc_bundles>
// kernel: kernel.3.cloned.1.call-start
scs
__scs_entry_jumppad:
0x0: {  	(pc) =	sbr.rel $0x88, $3  }
0x1: {  	(tag) =	ssettag $0x0;
	lr =	simm.s32 $0x1  }
0x2: {  	[smem:$0x3F9F] =	sst lr;
	_ =	strace $0xD0000000  }
0x3: {  	_ = 	snop  }
0x4: {  	_ = 	snop  }
0x5: {  	_ = 	snop  }
0x6: {  	_ = 	snop  }
0x7: {  	_ = 	snop  }
__scs_overlays_trampoline_lowered:
0x8: {  	[smem:$0x3FAE] =	sst s0  }
0x9: {  	[smem:$0x3FAF] =	sst s1  }
0xa: {  	[smem:$0x3FB0] =	sst s2  }
0xb: {  	[smem:$0x3FB1] =	sst s3  }
0xc: {  	[smem:$0x3FB2] =	sst s4  }
0xd: {  	[smem:$0x3FB3] =	sst s5  }
0xe: {  	[smem:$0x3FB4] =	sst s6  }
0xf: {  	[smem:$0x3FB5] =	sst s7  }
0x10: {  	[smem:$0x3FB6] =	sst s8  }
0x11: {  	[smem:$0x3FB7] =	sst s9;
	s0 =	simm.s32 @!p0 $0x0  }
0x12: {  	s1 =	sld [smem:$0x3F9D];
	s0 =	simm.s32 @p0 $0x1  }
0x13: {  	[smem:$0x3FB8] =	sst s0;
	s0 =	simm.s32 @!p1 $0x0  }
0x14: {  	s2 =	sld [smem:$0x3F9C];
	s0 =	simm.s32 @p1 $0x1  }
0x15: {  	[smem:$0x3FB9] =	sst s0;
	s0 =	simm.s32 @!p2 $0x0  }
0x16: {  	s3 =	sld [smem:$0x3FDB];
	s0 =	simm.s32 @p2 $0x1  }
0x17: {  	s4 =	simm.s32 $0x1BF5;
	[smem:$0x3FBB] =	sst s0  }
0x18: {  	s0 =	sld [smem:$0x3F9E];
	_ =	swait.ge [sflag:s4], $0x0  }
0x19: {  	s7 =	sld [smem:$0x3F9F]  }
0x1a: {  	s8 =	sadd.s32 $0xFFFFE003, lr  }
0x1b: {  	s9 =	sadd.s32 $0xFFFFFEF7, lr;
	s5 =	simm.s32 $0xFFFFFFFF;
	p2 =	slt.u32 s8, $0xFFFFF086  }
0x1c: {  	p1 =	slt.u32 s9, $0xF7A;
	s5 =	simm.s32 @!p2 $0x0  }
0x1d: {  	s5 =	simm.s32 @p1 $0x1;
	p0 =	seq.s32 s7, s2  }
0x1e: {  	s7 =	smul.u32 @!p0 $0xF7A, s2;
	p2 =	seq.s32 @!p0 s5, $0x0  }
0x1f: {  	s9 =	smul.u32 $0xF7A, s1;
	s8 =	simm.s32 @!p0 $0x1BF5;
	p2 =	por !p2, p0  }
0x20: {  	[sflag:s8] =	ssyncset.s32 @!p0 $0xFFFFF086;
	s6 =	sadd.s32 @!p0 s3, s7;
	s7 =	simm.s32 @!p0 $0x108  }
0x21: {  	s3 =	sadd.s32 s3, s9;
	s6 =	sadd.s32 @!p0 $0x88, s6;
	s7 =	simm.s32 @p2 $0x1082  }
0x22: {  	[simem:s7], [sflag:s8] =	dma.local @!p0 [hbm:s6], $0xF7A  }
0x23: {  	s9 =	sor.u32 $0xD0000000, s2;
	s6 =	simm.s32 $0x108;
	_ =	swait.ge @!p0 [sflag:s8], $0x0  }
0x24: {  	s3 =	sadd.s32 $0x88, s3;
	s6 =	simm.s32 @!p1 $0x1082;
	[sflag:s4] =	ssyncset.s32 $0xFFFFF086  }
0x25: {  	[simem:s6], [sflag:s4] =	dma.local [hbm:s3], $0xF7A  }
0x26: {  	[smem:$0x3F9F] =	sst s1;
	(tag) =	ssettag s2;
	_ =	strace s9  }
0x27: {  	s1 =	sld [smem:$0x3FAF]  }
0x28: {  	s2 =	sld [smem:$0x3FB0]  }
0x29: {  	s4 =	sld [smem:$0x3FB2]  }
0x2a: {  	p0 =	seq.s32 s5, $0x0;
	s5 =	sld [smem:$0x3FB3]  }
0x2b: {  	s6 =	sld [smem:$0x3FB4]  }
0x2c: {  	s7 =	sld [smem:$0x3FB5]  }
0x2d: {  	s3 =	simm.s32 $0x108;
	s8 =	sld [smem:$0x3FB6]  }
0x2e: {  	s3 =	simm.s32 @!p0 $0x1082;
	s9 =	sld [smem:$0x3FB7]  }
0x2f: {  	lr =	sadd.s32 s0, s3;
	s0 =	sld [smem:$0x3FAE]  }
0x30: {  	s3 =	sld [smem:$0x3FB1]  }
0x31: {  	[smem:$0x3FBA] =	sst s10  }
0x32: {  	s10 =	sld [smem:$0x3FB8];
	_ =	sdelay $0x3  }
0x33: {  	p0 =	seq.s32 s10, $0x1;
	s10 =	sld [smem:$0x3FBA];
	_ =	sdelay $0x3  }
0x34: {  	[smem:$0x3FBA] =	sst s10  }
0x35: {  	s10 =	sld [smem:$0x3FB9];
	_ =	sdelay $0x3  }
0x36: {  	p1 =	seq.s32 s10, $0x1;
	s10 =	sld [smem:$0x3FBA];
	_ =	sdelay $0x3  }
0x37: {  	[smem:$0x3FBA] =	sst s10  }
0x38: {  	s10 =	sld [smem:$0x3FBB]  }
0x39: {  	_ = 	snop;
	(pc) =	sbr.ind lr, $3  }
0x3a: {  	_ = 	snop  }
0x3b: {  	_ = 	snop  }
0x3c: {  	p2 =	seq.s32 s10, $0x1;
	s10 =	sld [smem:$0x3FBA]  }
0x3d: {  	_ =	shalt  }
0x3e: {  	_ =	shalt  }
0x3f: {  	_ =	shalt  }
0x40: {  	_ =	shalt  }
0x41: {  	_ =	shalt  }
0x42: {  	_ =	shalt  }
0x43: {  	_ =	shalt  }
0x44: {  	_ =	shalt  }
0x45: {  	_ =	shalt  }
0x46: {  	_ =	shalt  }
0x47: {  	_ =	shalt  }
0x48: {  	_ =	shalt  }
0x49: {  	_ =	shalt  }
0x4a: {  	_ =	shalt  }
0x4b: {  	_ =	shalt  }
0x4c: {  	_ =	shalt  }
0x4d: {  	_ =	shalt  }
0x4e: {  	_ =	shalt  }
0x4f: {  	_ =	shalt  }
0x50: {  	_ =	shalt  }
0x51: {  	_ =	shalt  }
0x52: {  	_ =	shalt  }
0x53: {  	_ =	shalt  }
0x54: {  	_ =	shalt  }
0x55: {  	_ =	shalt  }
0x56: {  	_ =	shalt  }
0x57: {  	_ =	shalt  }
0x58: {  	_ =	shalt  }
0x59: {  	_ =	shalt  }
0x5a: {  	_ =	shalt  }
0x5b: {  	_ =	shalt  }
0x5c: {  	_ =	shalt  }
0x5d: {  	_ =	shalt  }
0x5e: {  	_ =	shalt  }
0x5f: {  	_ =	shalt  }
0x60: {  	_ =	shalt  }
0x61: {  	_ =	shalt  }
0x62: {  	_ =	shalt  }
0x63: {  	_ =	shalt  }
0x64: {  	_ =	shalt  }
0x65: {  	_ =	shalt  }
0x66: {  	_ =	shalt  }
0x67: {  	_ =	shalt  }
0x68: {  	_ =	shalt  }
0x69: {  	_ =	shalt  }
0x6a: {  	_ =	shalt  }
0x6b: {  	_ =	shalt  }
0x6c: {  	_ =	shalt  }
0x6d: {  	_ =	shalt  }
0x6e: {  	_ =	shalt  }
0x6f: {  	_ =	shalt  }
0x70: {  	_ =	shalt  }
0x71: {  	_ =	shalt  }
0x72: {  	_ =	shalt  }
0x73: {  	_ =	shalt  }
0x74: {  	_ =	shalt  }
0x75: {  	_ =	shalt  }
0x76: {  	_ =	shalt  }
0x77: {  	_ =	shalt  }
0x78: {  	_ =	shalt  }
0x79: {  	_ =	shalt  }
0x7a: {  	_ =	shalt  }
0x7b: {  	_ =	shalt  }
0x7c: {  	_ =	shalt  }
0x7d: {  	_ =	shalt  }
0x7e: {  	_ =	shalt  }
0x7f: {  	_ =	shalt  }
0x80: {  	_ =	shalt  }
0x81: {  	_ =	shalt  }
0x82: {  	_ =	shalt  }
0x83: {  	_ =	shalt  }
0x84: {  	_ =	shalt  }
0x85: {  	_ =	shalt  }
0x86: {  	_ =	shalt  }
0x87: {  	_ =	shalt  }
.Lfunc_end0:
.L_simem_size_0:
called_computation.2_lowered:
.L_overlay_start_0:
0x88: {  	s2 =	sld [smem:$0x3FD9]  }
0x89: {  	s3 =	sld [smem:$0x3FFE];
	_ =	sdelay $0x1  }
0x8a: {  	s1 =	srdreg.scid  }
0x8b: {  	s0 =	sand.u32 $0x1, s1  }
0x8c: {  	s17 =	sshll.u32 s0, $0xA;
	s2 =	sadd.s32 s3, s2  }
0x8d: {  	s2 =	sadd.s32 s2, s17  }
0x8e: {  	[smem:$0x3FC6] =	sst s2  }
0x8f: {  	_ = 	snop  }
0x90: {  	s2 =	sld [smem:$0x3FD0];
	(tm) =	ssettm $0x1  }
0x91: {  	s18 =	sld [smem:$0x3FFB];
	_ =	sdelay $0x3  }
0x92: {  	_ =	strace s18  }
0x93: {  	s3 =	sld [smem:$0x3FFC];
	_ =	sdelay $0x3  }
0x94: {  	_ =	strace s3  }
0x95: {  	s3 =	sld [smem:$0x3FFD];
	_ =	sdelay $0x3  }
0x96: {  	_ =	strace s3  }
0x97: {  	_ =	strace $0x8FFFFFFF  }
0x98: {  	s19 =	sld [smem:$0x3FDB];
	_ =	sdelay $0x1  }
0x99: {  	s4 =	simm.s32 $_scs_section_size  }
0x9a: {  	s5 =	simm.s32 $_size__tile_overlayer_lowered;
	s6 =	simm.s32 $_tile_overlayer_lowered  }
0x9b: {  	s22 =	simm.s32 $0x1BFF;
	s21 =	sshll.u32 s6, $0x1;
	s3 =	sadd.s32 s4, s19  }
0x9c: {  	s7 =	simm.s32 $0x0;
	s20 =	sshll.u32 s5, $0x1;
	s5 =	sadd.s32 s21, s3  }
0x9d: {  	[timem:s7], [sflag:s22] =	dma.local [hbm:s5], s20  }
0x9e: {  	_ =	swait.ge [sflag:s22], s20  }
0x9f: {  	s4 =	ssub.s32 $0x0, s20;
	[sflag:s22] =	ssyncset.done $0x0  }
0xa0: {  	[sflag:s22] =	ssyncadd.s32 s4;
	_ =	sdelay $0x1  }
0xa1: {  	s23 =	simm.s32 $0x1B8B  }
0xa2: {  	_ =	swait.ge [sflag:s23], $0x1  }
0xa3: {  	[sflag:s23] =	ssyncset.done $0x0  }
0xa4: {  	s25 =	simm.s32 $0x1B8E;
	s24 =	sld [smem:$0x3FFE];
	[sflag:s23] =	ssyncadd.s32 $0xFFFFFFFF  }
0xa5: {  	s26 =	simm.s32 $execute0_lowered;
	[smem:$0x3FD2] =	sst s25  }
0xa6: {  	s5 =	sshll.u32 s26, $0x1;
	_ =	strace $0x8000004C;
	[dreg:$0x1] =	wrdreg $0xFFFFFFFF  }
0xa7: {  	s28 =	simm.s32 $_size_execute0_lowered;
	s3 =	sadd.s32 s3, s5;
	[dreg:$0x0] =	wrdreg $0x0  }
0xa8: {  	s5 =	sshll.u32 s28, $0x1;
	[dreg:$0x2] =	wrdreg s3  }
0xa9: {  	[dreg:$0x3] =	wrdreg s5  }
0xaa: {  	[dreg:$0x4] =	wrdreg $0xC0  }
0xab: {  	_ =	task [dreg:s7], $0x5FFFF  }
0xac: {  	[dreg:$0x1] =	wrdreg $0xFFFFFFFF  }
0xad: {  	[dreg:$0x0] =	wrdreg $0x60  }
0xae: {  	[dreg:$0x2] =	wrdreg s2  }
0xaf: {  	[dreg:$0x3] =	wrdreg s24  }
0xb0: {  	[dreg:$0x4] =	wrdreg $0x9  }
0xb1: {  	_ =	task.clear_ibuf [dreg:s7], $0x5FFFF;
	_ =	strace $0x9000004C  }
0xb2: {  	s29 =	simm.s32 $0x9;
	_ =	strace $0x8000004E  }
0xb3: {  	_ =	swait.ge [sflag:s29], $0x1  }
0xb4: {  	[sflag:s29] =	ssyncadd.s32 $0xFFFFFFFF  }
0xb5: {  	_ =	strace $0x9000004E  }
0xb6: {  	_ =	sfence  }
0xb7: {  	s30 =	sld [smem:$0x0];
	_ =	sdelay $0x2  }
0xb8: {  	s31 =	sshll.u32 s1, $0xD;
	s1 =	sshrl.u32 s1, $0x2  }
0xb9: {  	s3 =	sand.u32 $0x4000, s31;
	s1 =	sadd.s32 s1, s30  }
0xba: {  	s0 =	sor.u32 s3, s0;
	s1 =	sshll.u32 s1, $0x11  }
0xbb: {  	s0 =	sor.u32 s1, s0  }
0xbc: {  	s0 =	sadd.s32 $0x8F2B, s0  }
0xbd: {  	[sflag:s0] =	ssyncadd.remote.s32 $0x1  }
0xbe: {  	_ =	sfence.sel $0xFFFF  }
0xbf: {  	[dreg:$0x0] =	wrdreg $0xFFFFFFFF;
	(pc) =	sbr.abs _section_cstart, $3  }
0xc0: {  	[dreg:$0x1] =	wrdreg $0xFFFFFFFF  }
0xc1: {  	_ =	task.clear_ibuf [dreg:s7], $0x2FFFF;
	_ =	strace $0x9FFFFFFF  }
0xc2: {  	(tm) =	ssettm $0x7FFFFFFF  }
0xc3: {  	_ =	shalt  }
tec
execute0_lowered:
.L_overlay_start_1:
0x0: {  	(tag) =	ssettag $0x1  }
0x1: {  	s1 =	rddreg [dreg:$0x0]  }
0x2: {  	s0 =	rddreg [dreg:$0x1];
	s3 =	simm.s32 $0x0;
	s2 =	srdreg.scid  }
0x3: {  	s4 =	stileid.u32;
	s31 =	simm.s32 $0x4000;
	s14 =	simm.s32 $0x1  }
0x4: {  	s15 =	simm.s32 $0x10000;
	s16 =	simm.s32 $0x3;
	s17 =	simm.s32 $0x14000  }
0x5: {  	s18 =	simm.s32 $0x4;
	s19 =	simm.s32 $0x7;
	s20 =	simm.s32 $0x5  }
0x6: {  	s21 =	simm.s32 $0x8;
	s13 =	simm.s32 $0x8000;
	[smem:$0x7FF] =	sst s3  }
0x7: {  	s2 =	sand.u32 $0x1, s2;
	s8 =	sadd.s32 $0xC00, s0;
	s5 =	sadd.s32 $0x100C00, s0  }
0x8: {  	s7 =	sshll.u32 s4, $0x10;
	s25 =	sadd.s32 $0x100800, s1;
	_ =	strace $0x8000004D  }
0x9: {  	s6 =	ssub.s32 $0x2, s2;
	s2 =	sshll.u32 s2, $0xF;
	[dreg:$0x3] =	wrdreg s25  }
0xa: {  	[dreg:$0x9] =	wrdreg s31;
	s25 =	simm.s32 $0xA;
	s4 =	sor.u32 s2, s7  }
0xb: {  	s9 =	sshrl.u32 s6, $0x1;
	s7 =	sadd.s32 s7, s8;
	s23 =	sadd.s32 s8, s4  }
0xc: {  	s10 =	ssub.s32 s6, s9;
	s11 =	sadd.s32 s5, s4;
	[dreg:$0xb] =	wrdreg s23  }
0xd: {  	s22 =	sadd.s32 s1, s4;
	s12 =	sor.u32 $0x800, s4;
	[dreg:$0x4] =	wrdreg s11  }
0xe: {  	s9 =	sadd.s32 $0x200C00, s0;
	s24 =	sadd.s32 $0x100000, s22;
	[dreg:$0xa] =	wrdreg s22  }
0xf: {  	s6 =	simm.s32 $0x8000;
	s10 =	smax.u32 s10, $0x1;
	[dreg:$0xc] =	wrdreg s24  }
0x10: {  	s26 =	sadd.s32 s12, s1;
	s28 =	sadd.s32 $0x101000, s22;
	[dreg:$0xd] =	wrdreg s10  }
0x11: {  	s29 =	sadd.s32 $0x1000, s22;
	s11 =	sadd.s32 s2, s7;
	[dreg:$0x5] =	wrdreg s26  }
0x12: {  	s30 =	sadd.s32 s12, s5;
	s22 =	simm.s32 $0x6;
	[dreg:$0x6] =	wrdreg s28  }
0x13: {  	s23 =	simm.s32 $0x2;
	s2 =	simm.s32 $0x0;
	[dreg:$0x7] =	wrdreg s29  }
0x14: {  	[dreg:$0x8] =	wrdreg s30;
	s26 =	simm.s32 $0xC000;
	s24 =	simm.s32 $0x9  }
.LBB2_1:
0x15: {  	[dreg:$0xe] =	wrdreg s2  }
0x16: {  	s0 =	rddreg [dreg:$0xb]  }
0x17: {  	[tilespmem:s3], [sflag:$0x1] =	stream.linear.gather [hbm4b:s0+s3], $0x4000, $0x38;
	[tilespmem:$0x18000] =	vst v63  }
0x18: {  	s2 =	rddreg [dreg:$0xa]  }
0x19: {  	[tilespmem:s6], [sflag:$0x3] =	stream.linear.gather [hbm4b:s2+s3], $0x4000, $0x38;
	[tilespmem:$0x18000] =	vst v63  }
0x1a: {  	s7 =	rddreg [dreg:$0xc]  }
0x1b: {  	[tilespmem:s26], [sflag:$0x4] =	stream.linear.gather [hbm4b:s7+s3], $0x4000, $0x38;
	[tilespmem:$0x18000] =	vst v63  }
0x1c: {  	s8 =	sadd.s32 $0x0, s11;
	p0 =	por $0x1, $0x1;
	_ =	swait.ge [sflag:s14], $0x4000  }
0x1d: {  	s0 =	sadd.s32 $0x800, s8;
	s8 =	sadd.s32 $0x0, s4;
	[sflag:s14] =	ssyncset.done $0x0  }
0x1e: {  	s7 =	simm.s32 @!p0 $0x9;
	s10 =	rddreg [dreg:$0x9];
	[sflag:s14] =	ssyncadd.s32 $0xFFFFC000  }
0x1f: {  	[tilespmem:s10], [sflag:$0x2] =	stream.linear.gather [hbm4b:s0+s3], $0x4000, $0x38;
	[tilespmem:$0x18000] =	vst v63  }
0x20: {  	s12 =	sand.u32 $0x1FDFF000, s8;
	_ =	swait.ge @!p0 [sflag:s7], $0x4000  }
0x21: {  	s0 =	sor.u32 $0x200000, s12;
	[sflag:s7] =	ssyncset.done @!p0 $0x0  }
0x22: {  	s30 =	sadd.s32 s1, s0;
	[sflag:s7] =	ssyncadd.s32 @!p0 $0xFFFFC000  }
0x23: {  	[tilespmem:s15], [sflag:$0x5] =	stream.linear.gather [hbm4b:s30+s3], $0x4000, $0x38;
	[tilespmem:$0x18000] =	vst v63  }
0x24: {  	_ =	swait.ge [sflag:s16], $0x4000  }
0x25: {  	s10 =	rddreg [dreg:$0x4];
	[sflag:s16] =	ssyncset.done $0x0  }
0x26: {  	s7 =	simm.s32 @!p0 $0xA;
	[sflag:s16] =	ssyncadd.s32 $0xFFFFC000;
	s2 =	sadd.s32 $0x0, s10  }
0x27: {  	[hbm4b:s2+s3] =	stream.linear.scatter [tilespmem:s6], [sflag:$0x7], $0x4000, $0x38;
	[tilespmem:$0x18000] =	vst v63  }
0x28: {  	s12 =	sand.u32 $0x1FCFF000, s8;
	_ =	swait.ge @!p0 [sflag:s7], $0x4000  }
0x29: {  	s2 =	sor.u32 $0x300000, s12;
	[sflag:s7] =	ssyncset.done @!p0 $0x0  }
0x2a: {  	s10 =	sadd.s32 s1, s2;
	[sflag:s7] =	ssyncadd.s32 @!p0 $0xFFFFC000  }
0x2b: {  	[tilespmem:s17], [sflag:$0x6] =	stream.linear.gather [hbm4b:s10+s3], $0x4000, $0x38;
	[tilespmem:$0x18000] =	vst v63  }
0x2c: {  	_ =	swait.ge [sflag:s18], $0x4000  }
0x2d: {  	s7 =	sand.u32 $0x1FEFF000, s8;
	[sflag:s18] =	ssyncset.done $0x0  }
0x2e: {  	s30 =	sadd.s32 s7, s9;
	[sflag:s18] =	ssyncadd.s32 $0xFFFFC000  }
0x2f: {  	[hbm4b:s30+s3] =	stream.linear.scatter [tilespmem:s26], [sflag:$0x8], $0x4000, $0x38;
	[tilespmem:$0x18000] =	vst v63  }
0x30: {  	_ =	swait.ge [sflag:s19], $0x4000  }
0x31: {  	s12 =	rddreg [dreg:$0x5];
	[sflag:s19] =	ssyncset.done $0x0  }
0x32: {  	[sflag:s19] =	ssyncadd.s32 $0xFFFFC000;
	s10 =	sadd.s32 $0x0, s12  }
0x33: {  	[tilespmem:s6], [sflag:$0x3] =	stream.linear.gather [hbm4b:s10+s3], $0x4000, $0x38;
	[tilespmem:$0x18000] =	vst v63  }
0x34: {  	_ =	swait.ge [sflag:s20], $0x4000  }
0x35: {  	[sflag:s20] =	ssyncset.done $0x0  }
0x36: {  	s0 =	sadd.s32 s5, s0;
	[sflag:s20] =	ssyncadd.s32 $0xFFFFC000  }
0x37: {  	[hbm4b:s0+s3] =	stream.linear.scatter [tilespmem:s15], [sflag:$0x9], $0x4000, $0x38;
	[tilespmem:$0x18000] =	vst v63  }
0x38: {  	_ =	swait.ge [sflag:s21], $0x4000  }
0x39: {  	s30 =	rddreg [dreg:$0x3];
	[sflag:s21] =	ssyncset.done $0x0  }
0x3a: {  	[sflag:s21] =	ssyncadd.s32 $0xFFFFC000;
	s0 =	sadd.s32 s7, s30  }
0x3b: {  	[tilespmem:s26], [sflag:$0x4] =	stream.linear.gather [hbm4b:s0+s3], $0x4000, $0x38;
	[tilespmem:$0x18000] =	vst v63  }
0x3c: {  	_ =	swait.ge [sflag:s22], $0x4000  }
0x3d: {  	[sflag:s22] =	ssyncset.done $0x0  }
0x3e: {  	p0 =	por $0x0, $0x0;
	s10 =	sadd.s32 s5, s2;
	[sflag:s22] =	ssyncadd.s32 $0xFFFFC000  }
0x3f: {  	[hbm4b:s10+s3] =	stream.linear.scatter [tilespmem:s17], [sflag:$0xA], $0x4000, $0x38;
	[tilespmem:$0x18000] =	vst v63  }
0x40: {  	s2 =	sadd.s32 @!p0 $0x0, s11;
	_ =	swait.ge [sflag:s23], $0x4000  }
0x41: {  	s2 =	sadd.s32 @!p0 $0x1000, s2;
	[sflag:s23] =	ssyncset.done $0x0  }
0x42: {  	s7 =	simm.s32 @!p0 $0x0;
	s0 =	sadd.s32 $0x800, s8;
	[sflag:s23] =	ssyncadd.s32 $0xFFFFC000  }
0x43: {  	[tilespmem:s7], [sflag:$0x1] =	stream.linear.gather @!p0 [hbm4b:s2+s7], $0x4000, $0x38;
	[tilespmem:$0x18000] =	vst v63  }
0x44: {  	s12 =	sand.u32 $0x1FDFF800, s0;
	_ =	swait.ge [sflag:s24], $0x4000  }
0x45: {  	s2 =	sor.u32 $0x200000, s12;
	[sflag:s24] =	ssyncset.done $0x0  }
0x46: {  	s30 =	sadd.s32 s1, s2;
	[sflag:s24] =	ssyncadd.s32 $0xFFFFC000  }
0x47: {  	[tilespmem:s15], [sflag:$0x5] =	stream.linear.gather [hbm4b:s30+s3], $0x4000, $0x38;
	[tilespmem:$0x18000] =	vst v63  }
0x48: {  	_ =	swait.ge [sflag:s16], $0x4000  }
0x49: {  	s8 =	rddreg [dreg:$0x8];
	[sflag:s16] =	ssyncset.done $0x0  }
0x4a: {  	[sflag:s16] =	ssyncadd.s32 $0xFFFFC000;
	s7 =	sadd.s32 $0x0, s8  }
0x4b: {  	[hbm4b:s7+s3] =	stream.linear.scatter [tilespmem:s6], [sflag:$0x7], $0x4000, $0x38;
	[tilespmem:$0x18000] =	vst v63  }
0x4c: {  	s10 =	sand.u32 $0x1FCFF800, s0;
	_ =	swait.ge [sflag:s25], $0x4000  }
0x4d: {  	s7 =	sor.u32 $0x300000, s10;
	[sflag:s25] =	ssyncset.done $0x0  }
0x4e: {  	s12 =	sadd.s32 s1, s7;
	[sflag:s25] =	ssyncadd.s32 $0xFFFFC000  }
0x4f: {  	[tilespmem:s17], [sflag:$0x6] =	stream.linear.gather [hbm4b:s12+s3], $0x4000, $0x38;
	[tilespmem:$0x18000] =	vst v63  }
0x50: {  	_ =	swait.ge [sflag:s18], $0x4000  }
0x51: {  	s0 =	sand.u32 $0x1FEFF800, s0;
	[sflag:s18] =	ssyncset.done $0x0  }
0x52: {  	s0 =	sadd.s32 s0, s9;
	[sflag:s18] =	ssyncadd.s32 $0xFFFFC000  }
0x53: {  	[hbm4b:s0+s3] =	stream.linear.scatter [tilespmem:s26], [sflag:$0x8], $0x4000, $0x38;
	[tilespmem:$0x18000] =	vst v63  }
0x54: {  	p0 =	por $0x0, $0x0;
	_ =	swait.ge [sflag:s19], $0x4000  }
0x55: {  	s8 =	simm.s32 @!p0 $0x0;
	s0 =	rddreg [dreg:$0x7];
	[sflag:s19] =	ssyncset.done $0x0  }
0x56: {  	s10 =	simm.s32 @!p0 $0x8000;
	[sflag:s19] =	ssyncadd.s32 $0xFFFFC000;
	s0 =	sadd.s32 @!p0 $0x0, s0  }
0x57: {  	[tilespmem:s10], [sflag:$0x3] =	stream.linear.gather @!p0 [hbm4b:s0+s8], $0x4000, $0x38;
	[tilespmem:$0x18000] =	vst v63  }
0x58: {  	_ =	swait.ge [sflag:s20], $0x4000  }
0x59: {  	[sflag:s20] =	ssyncset.done $0x0  }
0x5a: {  	s30 =	sadd.s32 s5, s2;
	[sflag:s20] =	ssyncadd.s32 $0xFFFFC000  }
0x5b: {  	[hbm4b:s30+s3] =	stream.linear.scatter [tilespmem:s15], [sflag:$0x9], $0x4000, $0x38;
	[tilespmem:$0x18000] =	vst v63  }
0x5c: {  	_ =	swait.ge [sflag:s21], $0x4000  }
0x5d: {  	s28 =	simm.s32 $0x1000;
	s0 =	rddreg [dreg:$0x6];
	[sflag:s21] =	ssyncset.done $0x0  }
0x5e: {  	s2 =	simm.s32 @!p0 $0xC000;
	[sflag:s21] =	ssyncadd.s32 $0xFFFFC000;
	s0 =	sadd.s32 @!p0 $0x0, s0  }
0x5f: {  	[tilespmem:s2], [sflag:$0x4] =	stream.linear.gather @!p0 [hbm4b:s0+s8], $0x4000, $0x38;
	[tilespmem:$0x18000] =	vst v63  }
0x60: {  	s29 =	simm.s32 $0x1;
	s31 =	sadd.s32 s5, s7;
	_ =	swait.ge [sflag:s22], $0x4000  }
.LBB2_2:
0x61: {  	[sflag:s22] =	ssyncset.done $0x0  }
0x62: {  	s30 =	smov.u32 s28;
	[sflag:s22] =	ssyncadd.s32 $0xFFFFC000  }
0x63: {  	[hbm4b:s31+s3] =	stream.linear.scatter [tilespmem:s17], [sflag:$0xA], $0x4000, $0x38;
	[tilespmem:$0x18000] =	vst v63  }
0x64: {  	s0 =	sadd.s32 s30, s11;
	p1 =	seq.s32 s30, $0x0;
	_ =	swait.ge [sflag:s14], $0x4000  }
0x65: {  	s6 =	sadd.s32 s30, s4;
	s0 =	sadd.s32 $0x800, s0;
	[sflag:s14] =	ssyncset.done $0x0  }
0x66: {  	s7 =	simm.s32 @!p1 $0x9;
	s2 =	rddreg [dreg:$0x9];
	[sflag:s14] =	ssyncadd.s32 $0xFFFFC000  }
0x67: {  	[tilespmem:s2], [sflag:$0x2] =	stream.linear.gather [hbm4b:s0+s3], $0x4000, $0x38;
	[tilespmem:$0x18000] =	vst v63  }
0x68: {  	s8 =	sand.u32 $0x1FDFF000, s6;
	_ =	swait.ge @!p1 [sflag:s7], $0x4000  }
0x69: {  	s10 =	sor.u32 $0x200000, s8;
	[sflag:s7] =	ssyncset.done @!p1 $0x0  }
0x6a: {  	s12 =	sadd.s32 s1, s10;
	s2 =	sadd.s32 $0x800, s6;
	[sflag:s7] =	ssyncadd.s32 @!p1 $0xFFFFC000  }
0x6b: {  	[tilespmem:s15], [sflag:$0x5] =	stream.linear.gather [hbm4b:s12+s3], $0x4000, $0x38;
	[tilespmem:$0x18000] =	vst v63  }
0x6c: {  	s26 =	sand.u32 $0x1FDFF800, s2;
	s12 =	sand.u32 $0x1FCFF800, s2  }
0x6d: {  	s0 =	sor.u32 $0x200000, s26;
	_ =	swait.ge [sflag:s16], $0x4000;
	s7 =	sor.u32 $0x300000, s12  }
0x6e: {  	s12 =	smov.u32 s4;
	s26 =	rddreg [dreg:$0x4];
	[sflag:s16] =	ssyncset.done $0x0  }
0x6f: {  	s4 =	simm.s32 @!p1 $0xA;
	[sflag:s16] =	ssyncadd.s32 $0xFFFFC000;
	s26 =	sadd.s32 s30, s26  }
0x70: {  	[hbm4b:s26+s3] =	stream.linear.scatter [tilespmem:s13], [sflag:$0x7], $0x4000, $0x38;
	[tilespmem:$0x18000] =	vst v63  }
0x71: {  	s31 =	sand.u32 $0x1FCFF000, s6;
	_ =	swait.ge @!p1 [sflag:s4], $0x4000  }
0x72: {  	s8 =	sor.u32 $0x300000, s31;
	[sflag:s4] =	ssyncset.done @!p1 $0x0  }
0x73: {  	s26 =	sadd.s32 s1, s8;
	[sflag:s4] =	ssyncadd.s32 @!p1 $0xFFFFC000  }
0x74: {  	[tilespmem:s17], [sflag:$0x6] =	stream.linear.gather [hbm4b:s26+s3], $0x4000, $0x38;
	[tilespmem:$0x18000] =	vst v63  }
0x75: {  	_ =	swait.ge [sflag:s18], $0x4000  }
0x76: {  	s4 =	sand.u32 $0x1FEFF000, s6;
	[sflag:s18] =	ssyncset.done $0x0  }
0x77: {  	s26 =	simm.s32 $0xC000;
	s6 =	sadd.s32 s4, s9;
	[sflag:s18] =	ssyncadd.s32 $0xFFFFC000  }
0x78: {  	[hbm4b:s6+s3] =	stream.linear.scatter [tilespmem:s26], [sflag:$0x8], $0x4000, $0x38;
	[tilespmem:$0x18000] =	vst v63  }
0x79: {  	_ =	swait.ge [sflag:s19], $0x4000  }
0x7a: {  	s6 =	rddreg [dreg:$0x5];
	[sflag:s19] =	ssyncset.done $0x0  }
0x7b: {  	[sflag:s19] =	ssyncadd.s32 $0xFFFFC000;
	s6 =	sadd.s32 s30, s6  }
0x7c: {  	[tilespmem:s13], [sflag:$0x3] =	stream.linear.gather [hbm4b:s6+s3], $0x4000, $0x38;
	[tilespmem:$0x18000] =	vst v63  }
0x7d: {  	_ =	swait.ge [sflag:s20], $0x4000  }
0x7e: {  	[sflag:s20] =	ssyncset.done $0x0  }
0x7f: {  	s10 =	sadd.s32 s5, s10;
	[sflag:s20] =	ssyncadd.s32 $0xFFFFC000  }
0x80: {  	[hbm4b:s10+s3] =	stream.linear.scatter [tilespmem:s15], [sflag:$0x9], $0x4000, $0x38;
	[tilespmem:$0x18000] =	vst v63  }
0x81: {  	_ =	swait.ge [sflag:s21], $0x4000  }
0x82: {  	s10 =	rddreg [dreg:$0x3];
	[sflag:s21] =	ssyncset.done $0x0  }
0x83: {  	[sflag:s21] =	ssyncadd.s32 $0xFFFFC000;
	s4 =	sadd.s32 s4, s10  }
0x84: {  	[tilespmem:s26], [sflag:$0x4] =	stream.linear.gather [hbm4b:s4+s3], $0x4000, $0x38;
	[tilespmem:$0x18000] =	vst v63  }
0x85: {  	_ =	swait.ge [sflag:s22], $0x4000  }
0x86: {  	[sflag:s22] =	ssyncset.done $0x0  }
0x87: {  	s10 =	sadd.s32 s5, s8;
	[sflag:s22] =	ssyncadd.s32 $0xFFFFC000  }
0x88: {  	[hbm4b:s10+s3] =	stream.linear.scatter [tilespmem:s17], [sflag:$0xA], $0x4000, $0x38;
	[tilespmem:$0x18000] =	vst v63  }
0x89: {  	p1 =	seq.s32 s30, $0x7000;
	_ =	swait.ge [sflag:s23], $0x4000  }
0x8a: {  	s4 =	sadd.s32 @!p1 s30, s11;
	[sflag:s23] =	ssyncset.done $0x0  }
0x8b: {  	s6 =	simm.s32 @!p1 $0x0;
	s4 =	sadd.s32 @!p1 $0x1000, s4;
	[sflag:s23] =	ssyncadd.s32 $0xFFFFC000  }
0x8c: {  	[tilespmem:s6], [sflag:$0x1] =	stream.linear.gather @!p1 [hbm4b:s4+s6], $0x4000, $0x38;
	[tilespmem:$0x18000] =	vst v63  }
0x8d: {  	_ =	swait.ge [sflag:s24], $0x4000  }
0x8e: {  	[sflag:s24] =	ssyncset.done $0x0  }
0x8f: {  	s6 =	sadd.s32 s1, s0;
	[sflag:s24] =	ssyncadd.s32 $0xFFFFC000  }
0x90: {  	[tilespmem:s15], [sflag:$0x5] =	stream.linear.gather [hbm4b:s6+s3], $0x4000, $0x38;
	[tilespmem:$0x18000] =	vst v63  }
0x91: {  	_ =	swait.ge [sflag:s16], $0x4000  }
0x92: {  	s8 =	rddreg [dreg:$0x8];
	[sflag:s16] =	ssyncset.done $0x0  }
0x93: {  	[sflag:s16] =	ssyncadd.s32 $0xFFFFC000;
	s4 =	sadd.s32 s30, s8  }
0x94: {  	[hbm4b:s4+s3] =	stream.linear.scatter [tilespmem:s13], [sflag:$0x7], $0x4000, $0x38;
	[tilespmem:$0x18000] =	vst v63  }
0x95: {  	_ =	swait.ge [sflag:s25], $0x4000  }
0x96: {  	[sflag:s25] =	ssyncset.done $0x0  }
0x97: {  	s10 =	sadd.s32 s1, s7;
	[sflag:s25] =	ssyncadd.s32 $0xFFFFC000  }
0x98: {  	[tilespmem:s17], [sflag:$0x6] =	stream.linear.gather [hbm4b:s10+s3], $0x4000, $0x38;
	[tilespmem:$0x18000] =	vst v63  }
0x99: {  	_ =	swait.ge [sflag:s18], $0x4000  }
0x9a: {  	s2 =	sand.u32 $0x1FEFF800, s2;
	[sflag:s18] =	ssyncset.done $0x0  }
0x9b: {  	s29 =	sadd.s32 $0x2, s29;
	s2 =	sadd.s32 s2, s9;
	[sflag:s18] =	ssyncadd.s32 $0xFFFFC000  }
0x9c: {  	[hbm4b:s2+s3] =	stream.linear.scatter [tilespmem:s26], [sflag:$0x8], $0x4000, $0x38;
	[tilespmem:$0x18000] =	vst v63  }
0x9d: {  	p1 =	sgt.u32 s29, $0xE;
	_ =	swait.ge [sflag:s19], $0x4000  }
0x9e: {  	s6 =	simm.s32 @!p1 $0x8000;
	s2 =	rddreg [dreg:$0x7];
	[sflag:s19] =	ssyncset.done $0x0  }
0x9f: {  	s4 =	simm.s32 @!p1 $0x0;
	[sflag:s19] =	ssyncadd.s32 $0xFFFFC000;
	s2 =	sadd.s32 @!p1 s30, s2  }
0xa0: {  	[tilespmem:s6], [sflag:$0x3] =	stream.linear.gather @!p1 [hbm4b:s2+s4], $0x4000, $0x38;
	[tilespmem:$0x18000] =	vst v63  }
0xa1: {  	_ =	swait.ge [sflag:s20], $0x4000  }
0xa2: {  	s28 =	sadd.s32 $0x1000, s28;
	[sflag:s20] =	ssyncset.done $0x0  }
0xa3: {  	p0 =	sne.s32 s28, $0x8000;
	s0 =	sadd.s32 s5, s0;
	[sflag:s20] =	ssyncadd.s32 $0xFFFFC000  }
0xa4: {  	[hbm4b:s0+s3] =	stream.linear.scatter [tilespmem:s15], [sflag:$0x9], $0x4000, $0x38;
	[tilespmem:$0x18000] =	vst v63  }
.Ltmp0:
0xa5: {  	_ =	swait.ge [sflag:s21], $0x4000;
	(pc) =	sbr.rel @p0 .LBB2_2-.Ltmp0, $4  }
0xa6: {  	s0 =	rddreg [dreg:$0x6];
	[sflag:s21] =	ssyncset.done $0x0  }
0xa7: {  	s2 =	simm.s32 @!p1 $0xC000;
	[sflag:s21] =	ssyncadd.s32 $0xFFFFC000;
	s0 =	sadd.s32 @!p1 s30, s0  }
0xa8: {  	[tilespmem:s2], [sflag:$0x4] =	stream.linear.gather @!p1 [hbm4b:s0+s4], $0x4000, $0x38;
	[tilespmem:$0x18000] =	vst v63  }
0xa9: {  	s31 =	sadd.s32 s5, s7;
	s4 =	smov.u32 s12;
	_ =	swait.ge [sflag:s22], $0x4000  }
0xaa: {  	[sflag:s22] =	ssyncset.done $0x0  }
0xab: {  	[sflag:s22] =	ssyncadd.s32 $0xFFFFC000  }
0xac: {  	[hbm4b:s31+s3] =	stream.linear.scatter [tilespmem:s17], [sflag:$0xA], $0x4000, $0x38;
	[tilespmem:$0x18000] =	vst v63  }
0xad: {  	_ =	swait.ge [sflag:s24], $0x4000  }
0xae: {  	[sflag:s24] =	ssyncset.done $0x0  }
0xaf: {  	[sflag:s24] =	ssyncadd.s32 $0xFFFFC000  }
0xb0: {  	_ =	swait.ge [sflag:s25], $0x4000  }
0xb1: {  	s2 =	rddreg [dreg:$0xe]  }
0xb2: {  	s0 =	rddreg [dreg:$0xd];
	s2 =	sadd.s32 $0x1, s2  }
0xb3: {  	p0 =	sne.s32 s2, s0  }
.Ltmp1:
0xb4: {  	_ = 	snop;
	(pc) =	sbr.rel @p0 .LBB2_1-.Ltmp1, $3  }
0xb5: {  	_ =	sdelay $0x1  }
0xb6: {  	[sflag:s25] =	ssyncset.done $0x0  }
0xb7: {  	s6 =	simm.s32 $0x8000;
	[sflag:s25] =	ssyncadd.s32 $0xFFFFC000  }
0xb8: {  	_ =	sfence.sel $0x180000  }
0xb9: {  	[bflag:$0x0] =	sbarrier.arrive $0xFFFF  }
0xba: {  	_ =	strace $0x9000004D  }
0xbb: {  	s0 =	stileid.u32;
	[bflag:$0x2] =	sbarrier.arrive $0xFFFF  }
0xbc: {  	p0 =	sne.s32 s0, $0x0;
	s0 =	rddreg [dreg:$0x2]  }
0xbd: {  	s0 =	sadd.s32 @!p0 $0x100000, s0  }
0xbe: {  	[sflag:s0] =	ssyncadd.tile.s32 @!p0 $0x1;
	_ =	shalt  }
.Lfunc_end2:
_tile_overlayer_lowered:
.L_overlay_start_2:
0xbf: {  	(tag) =	ssettag $0x2  }
0xc0: {  	s0 =	rddreg [dreg:$0x0];
	s2 =	stileid.u32  }
0xc1: {  	s1 =	rddreg [dreg:$0x1];
	p0 =	sne.s32 s2, $0x0  }
0xc2: {  	s3 =	rddreg [dreg:$0x2];
	[bflag:$0x3] =	sbarrier.arrive $0xFFFF;
	s2 =	simm.s32 @!p0 $0x1C0B  }
0xc3: {  	[timem:s3], [sflag:s2] =	dma.local @!p0 [hbm:s0], s1  }
0xc4: {  	s0 =	simm.s32 @!p0 $0xB  }
0xc5: {  	_ =	swait.ge @!p0 [sflag:s0], s1  }
0xc6: {  	s1 =	ssub.s32 @!p0 $0x0, s1;
	[sflag:s0] =	ssyncset.done @!p0 $0x0  }
0xc7: {  	[sflag:s0] =	ssyncadd.s32 @!p0 s1  }
0xc8: {  	[bflag:$0x3] =	sbarrier.arrive $0xFFFF  }
0xc9: {  	_ =	shalt  }

// kernel: sparse-core-data-format-call.1.cloned.1.call-start
scs
called_computation.1_lowered:
.L_overlay_start_0:
0x0: {  	s2 =	sld [smem:$0x3FD9]  }
0x1: {  	s3 =	sld [smem:$0x3FFE];
	_ =	sdelay $0x1  }
0x2: {  	s1 =	srdreg.scid  }
0x3: {  	s0 =	sand.u32 $0x1, s1  }
0x4: {  	s19 =	sshll.u32 s0, $0xA;
	s2 =	sadd.s32 s3, s2  }
0x5: {  	s2 =	sadd.s32 s2, s19  }
0x6: {  	[smem:$0x3FC6] =	sst s2  }
0x7: {  	_ = 	snop  }
0x8: {  	s20 =	sld [smem:$0x3FC9]  }
0x9: {  	s4 =	sld [smem:$0x3FD0];
	(tm) =	ssettm $0x1  }
0xa: {  	s21 =	sld [smem:$0x3FFB];
	_ =	sdelay $0x3  }
0xb: {  	_ =	strace s21  }
0xc: {  	s2 =	sld [smem:$0x3FFC];
	_ =	sdelay $0x3  }
0xd: {  	_ =	strace s2  }
0xe: {  	s2 =	sld [smem:$0x3FFD];
	_ =	sdelay $0x3  }
0xf: {  	_ =	strace s2  }
0x10: {  	_ =	strace $0x8FFFFFFF  }
0x11: {  	s22 =	sld [smem:$0x3FDB];
	_ =	sdelay $0x1  }
0x12: {  	s5 =	simm.s32 $_scs_section_size  }
0x13: {  	s6 =	simm.s32 $_size__tile_overlayer_lowered;
	s7 =	simm.s32 $_tile_overlayer_lowered  }
0x14: {  	s8 =	simm.s32 $0x1BFF;
	s23 =	sshll.u32 s7, $0x1;
	s5 =	sadd.s32 s5, s22  }
0x15: {  	s24 =	simm.s32 $0x0;
	s6 =	sshll.u32 s6, $0x1;
	s7 =	sadd.s32 s23, s5  }
0x16: {  	[timem:s24], [sflag:s8] =	dma.local [hbm:s7], s6  }
0x17: {  	_ =	swait.ge [sflag:s8], s6  }
0x18: {  	s6 =	ssub.s32 $0x0, s6;
	[sflag:s8] =	ssyncset.done $0x0  }
0x19: {  	[sflag:s8] =	ssyncadd.s32 s6;
	_ =	sdelay $0x1  }
0x1a: {  	s25 =	simm.s32 $0x1B8B  }
0x1b: {  	_ =	swait.ge [sflag:s25], $0x1  }
0x1c: {  	[sflag:s25] =	ssyncset.done $0x0  }
0x1d: {  	[sflag:s25] =	ssyncadd.s32 $0xFFFFFFFF  }
0x1e: {  	s6 =	sld [smem:$0x0]  }
0x1f: {  	s7 =	sand.u32 $0xFFFFFFFE, s1  }
0x20: {  	p0 =	sne.s32 s1, s7  }
0x21: {  	s7 =	sshll.u32 @p0 s7, $0xE  }
0x22: {  	s7 =	sadd.s32 @p0 $0x11B8D, s7;
	s8 =	sshll.u32 @p0 s6, $0x11  }
0x23: {  	s7 =	sor.u32 @p0 s8, s7  }
0x24: {  	[sflag:s7] =	ssyncadd.remote.s32 @p0 $0x1;
	_ =	sdelay $0x1  }
0x25: {  	s7 =	simm.s32 @p0 $0x1B8D  }
0x26: {  	_ =	swait.eq @p0 [sflag:s7], $0x1  }
0x27: {  	[sflag:s7] =	ssyncadd.s32 @p0 $0xFFFFFFFF  }
0x28: {  	s8 =	sshll.u32 @!p0 s1, $0xE  }
0x29: {  	s8 =	sor.u32 @!p0 $0x4000, s8;
	s7 =	simm.s32 @!p0 $0x1B8D  }
0x2a: {  	s6 =	sshll.u32 @!p0 s6, $0x11;
	s8 =	sadd.s32 @!p0 $0x11B8D, s8;
	_ =	swait.eq @!p0 [sflag:s7], $0x1  }
0x2b: {  	s6 =	sor.u32 @!p0 s6, s8;
	[sflag:s7] =	ssyncadd.s32 @!p0 $0xFFFFFFFF  }
0x2c: {  	s26 =	simm.s32 $0x1B8E;
	[sflag:s6] =	ssyncadd.remote.s32 @!p0 $0x1  }
0x2d: {  	s27 =	simm.s32 $execute0_lowered;
	[smem:$0x3FD2] =	sst s26  }
0x2e: {  	s6 =	sshll.u32 s27, $0x1;
	_ =	strace $0x80000049;
	[dreg:$0x1] =	wrdreg $0xFFFFFFFF  }
0x2f: {  	s28 =	simm.s32 $_size_execute0_lowered;
	s5 =	sadd.s32 s5, s6;
	[dreg:$0x0] =	wrdreg $0x0  }
0x30: {  	s6 =	sshll.u32 s28, $0x1;
	[dreg:$0x2] =	wrdreg s5  }
0x31: {  	[dreg:$0x3] =	wrdreg s6  }
0x32: {  	[dreg:$0x4] =	wrdreg $0xC0  }
0x33: {  	_ =	task [dreg:s24], $0x5FFFF  }
0x34: {  	[dreg:$0x1] =	wrdreg $0xFFFFFFFF  }
0x35: {  	[dreg:$0x0] =	wrdreg $0x60  }
0x36: {  	[dreg:$0x2] =	wrdreg s20  }
0x37: {  	[dreg:$0x3] =	wrdreg s4  }
0x38: {  	[dreg:$0x4] =	wrdreg $0xA  }
0x39: {  	_ =	task.clear_ibuf [dreg:s24], $0x5FFFF;
	_ =	strace $0x90000049  }
0x3a: {  	s29 =	simm.s32 $0xA;
	_ =	strace $0x8000004B  }
0x3b: {  	_ =	swait.ge [sflag:s29], $0x1  }
0x3c: {  	[sflag:s29] =	ssyncadd.s32 $0xFFFFFFFF  }
0x3d: {  	_ =	strace $0x9000004B  }
0x3e: {  	_ =	sfence  }
0x3f: {  	s30 =	sld [smem:$0x0];
	_ =	sdelay $0x2  }
0x40: {  	s31 =	sshll.u32 s1, $0xD;
	s1 =	sshrl.u32 s1, $0x2  }
0x41: {  	s4 =	sand.u32 $0x4000, s31;
	s1 =	sadd.s32 s1, s30  }
0x42: {  	s0 =	sor.u32 s4, s0;
	s1 =	sshll.u32 s1, $0x11  }
0x43: {  	s0 =	sor.u32 s1, s0  }
0x44: {  	s0 =	sadd.s32 $0x8F2B, s0  }
0x45: {  	[sflag:s0] =	ssyncadd.remote.s32 $0x1  }
0x46: {  	_ =	sfence.sel $0xFFFF  }
0x47: {  	[dreg:$0x0] =	wrdreg $0xFFFFFFFF;
	(pc) =	sbr.abs _section_cstart, $3  }
0x48: {  	[dreg:$0x1] =	wrdreg $0xFFFFFFFF  }
0x49: {  	_ =	task.clear_ibuf [dreg:s24], $0x2FFFF;
	_ =	strace $0x9FFFFFFF  }
0x4a: {  	(tm) =	ssettm $0x7FFFFFFF  }
0x4b: {  	_ =	shalt  }
tec
execute0_lowered:
.L_overlay_start_1:
0x0: {  	(tag) =	ssettag $0x1  }
0x1: {  	s2 =	rddreg [dreg:$0x0]  }
0x2: {  	s3 =	rddreg [dreg:$0x1]  }
0x3: {  	s0 =	rddreg [dreg:$0x2];
	_ =	strace $0x8000004A  }
0x4: {  	s4 =	srdreg.scid;
	s1 =	stileid.u32;
	s6 =	simm.s32 $0x2  }
.Ltmp0:
0x5: {  	s11 =	simm.s32 $0x0;
	p0 =	por $0x0, $0x0;
	(pc) =	sbr.rel .LBB1_1-.Ltmp0, $4  }
0x6: {  	s7 =	simm.s32 $0x1000;
	s12 =	simm.s32 $0x0;
	s5 =	sshll.u32 s4, $0x4  }
0x7: {  	s9 =	simm.s32 $0x0;
	s4 =	simm.s32 $0x1;
	s5 =	sand.u32 $0x10, s5  }
0x8: {  	s8 =	simm.s32 $0x0;
	[sflag:s4] =	ssyncpa.u1 $0x0;
	s5 =	sor.u32 s1, s5  }
0x9: {  	[sflag:s6] =	ssyncpa.u1 $0x0;
	s6 =	simm.s32 $0x800;
	s10 =	smov.u32 s5  }
.LBB1_7:
0xa: {  	s13 =	sadd.s32 $0x10, s9  }
0xb: {  	s11 =	sadd.s32 $0x20, s10;
	s15 =	smov.u32 s10;
	p2 =	sgt.s32 s13, $0x1F  }
0xc: {  	p1 =	slt.u32 s8, $0x2;
	s15 =	smov.u32 @p2 s11  }
0xd: {  	s8 =	sadd.s32 $0x1, s8;
	s13 =	simm.s32 @p2 $0x0;
	p2 =	sgt.s32 s15, $0x3FF  }
0xe: {  	s15 =	smov.u32 @p2 s5;
	p2 =	sne.s32 s8, $0x42  }
.Ltmp1:
0xf: {  	_ = 	snop;
	(pc) =	sbr.rel @!p2 .LBB1_8-.Ltmp1, $4  }
0x10: {  	s14 =	simm.s32 @!p1 $0x2  }
0x11: {  	s12 =	smov.u32 s10;
	_ =	swait.ge @!p1 [sflag:s14], $0x4000  }
0x12: {  	p0 =	por !p0, !p0;
	s11 =	smov.u32 s9;
	[sflag:s14] =	ssyncset.done @!p1 $0x0  }
0x13: {  	s9 =	smov.u32 s13;
	[sflag:s14] =	ssyncadd.s32 @!p1 $0xFFFFC000;
	s10 =	smov.u32 s15  }
.LBB1_1:
0x14: {  	p1 =	sgt.u32 s8, $0x3F  }
0x15: {  	s13 =	sxor.u32 @!p1 $0xFFFFFFFF, s8;
	s14 =	sshll.u32 @!p1 s10, $0xC  }
0x16: {  	s15 =	sshll.u32 @!p1 s9, $0x7;
	s13 =	sshll.u32 @!p1 s13, $0xE;
	s14 =	sadd.s32 @!p1 s2, s14  }
0x17: {  	s13 =	sand.u32 @!p1 $0x4000, s13;
	s14 =	sadd.s32 @!p1 s15, s14;
	s15 =	simm.s32 @!p1 $0x0  }
0x18: {  	[tilespmem:s13], [sflag:$0x1] =	stream.linear.gather @!p1 [hbm4b:s14+s15], $0x4000, $0x38;
	[tilespmem:$0x10000] =	vst v63  }
0x19: {  	p1 =	seq.s32 s8, $0x0  }
0x1a: {  	p2 =	seq.s32 @!p1 s8, $0x41  }
0x1b: {  	p1 =	por p1, p2  }
.Ltmp2:
0x1c: {  	_ = 	snop;
	(pc) =	sbr.rel @p1 .LBB1_7-.Ltmp2, $1  }
0x1d: {  	_ =	sdelay $0x3  }
0x1e: {  	s13 =	simm.s32 $0x1;
	_ =	swait.ge [sflag:s4], $0x4000;
	s16 =	sshll.u32 s8, $0xE  }
0x1f: {  	s13 =	simm.s32 @!p0 $0x0;
	[sflag:s4] =	ssyncset.done $0x0;
	s31 =	sand.u32 $0x4000, s16  }
0x20: {  	s16 =	simm.s32 $0x0;
	s14 =	sshll.u32 s13, $0xE;
	[sflag:s4] =	ssyncadd.s32 $0xFFFFC000  }
0x21: {  	s13 =	sor.u32 $0x8040, s14;
	s15 =	sor.u32 $0x40, s14;
	s14 =	sor.u32 $0x8000, s31  }
.LBB1_3:
0x22: {  	v0 =	vmov s15;
	_ =	sdelay $0x3  }
0x23: {  	s18 =	simm.s32 $0x0  }
0x24: {  	v6 =	vld.idx.msk [tilespmem:v0+s18+$0x30 ss:$0x1], $0xffff  }
0x25: {  	v7 =	vld.idx.msk [tilespmem:v0+s18+$0xFFFFFFC0 ss:$0x1], $0xffff  }
0x26: {  	v5 =	vld.idx.msk [tilespmem:v0+s18+$0xFFFFFFD0 ss:$0x1], $0xffff  }
0x27: {  	v4 =	vld.idx.msk [tilespmem:v0+s18+$0xFFFFFFE0 ss:$0x1], $0xffff  }
0x28: {  	v3 =	vld.idx.msk [tilespmem:v0+s18+$0xFFFFFFF0 ss:$0x1], $0xffff  }
0x29: {  	v1 =	vld.idx.msk [tilespmem:v0+s18+$0x0 ss:$0x1], $0xffff  }
0x2a: {  	v2 =	vld.idx.msk [tilespmem:v0+s18+$0x10 ss:$0x1], $0xffff;
	[tilespmem:s13+$0x30] =	vst v6  }
0x2b: {  	s17 =	simm.s32 $0x80;
	s19 =	simm.s32 $0x400;
	[tilespmem:s13+$0xFFFFFFC0] =	vst v7;
	v6 =	vld.idx.msk [tilespmem:v0+s18+$0x20 ss:$0x1], $0xffff;
	s18 =	smov.u32 s13  }
.LBB1_4:
0x2c: {  	p1 =	sne.s32 s19, $0xE00;
	v7 =	vld.idx.msk [tilespmem:v0+s17+$0x30 ss:$0x1], $0xffff;
	[tilespmem:s18+$0xFFFFFFD0] =	vst v5  }
0x2d: {  	v8 =	vld.idx.msk [tilespmem:v0+s17+$0xFFFFFFC0 ss:$0x1], $0xffff;
	[tilespmem:s18+$0xFFFFFFE0] =	vst v4  }
0x2e: {  	v5 =	vld.idx.msk [tilespmem:v0+s17+$0xFFFFFFD0 ss:$0x1], $0xffff;
	[tilespmem:s18+$0xFFFFFFF0] =	vst v3  }
.Ltmp3:
0x2f: {  	v4 =	vld.idx.msk [tilespmem:v0+s17+$0xFFFFFFE0 ss:$0x1], $0xffff;
	[tilespmem:s18+$0x0] =	vst v1;
	(pc) =	sbr.rel @p1 .LBB1_4-.Ltmp3, $4  }
0x30: {  	v3 =	vld.idx.msk [tilespmem:v0+s17+$0xFFFFFFF0 ss:$0x1], $0xffff;
	[tilespmem:s18+$0x10] =	vst v2  }
0x31: {  	v1 =	vld.idx.msk [tilespmem:v0+s17+$0x0 ss:$0x1], $0xffff;
	[tilespmem:s18+$0x20] =	vst v6;
	s18 =	sadd.s32 $0x800, s18  }
0x32: {  	v2 =	vld.idx.msk [tilespmem:v0+s17+$0x10 ss:$0x1], $0xffff;
	[tilespmem:s18+$0x30] =	vst v7  }
0x33: {  	[tilespmem:s18+$0xFFFFFFC0] =	vst v8;
	v6 =	vld.idx.msk [tilespmem:v0+s17+$0x20 ss:$0x1], $0xffff;
	s17 =	sshra.s32 s19, $0x2;
	s19 =	sadd.s32 $0x200, s19  }
0x34: {  	_ =	sdelay $0x2  }
0x35: {  	[tilespmem:s18+$0xFFFFFFD0] =	vst v5  }
0x36: {  	v56 =	vld.idx.msk [tilespmem:v0+s17+$0x30 ss:$0x1], $0xffff;
	[tilespmem:s18+$0xFFFFFFE0] =	vst v4  }
0x37: {  	v57 =	vld.idx.msk [tilespmem:v0+s17+$0xFFFFFFC0 ss:$0x1], $0xffff;
	[tilespmem:s18+$0xFFFFFFF0] =	vst v3  }
0x38: {  	v58 =	vld.idx.msk [tilespmem:v0+s17+$0xFFFFFFD0 ss:$0x1], $0xffff;
	[tilespmem:s18+$0x0] =	vst v1  }
0x39: {  	v59 =	vld.idx.msk [tilespmem:v0+s17+$0xFFFFFFE0 ss:$0x1], $0xffff;
	[tilespmem:s18+$0x10] =	vst v2  }
0x3a: {  	v60 =	vld.idx.msk [tilespmem:v0+s17+$0xFFFFFFF0 ss:$0x1], $0xffff;
	s31 =	sadd.s32 $0x800, s18;
	[tilespmem:s18+$0x20] =	vst v6  }
0x3b: {  	v61 =	vld.idx.msk [tilespmem:v0+s17+$0x0 ss:$0x1], $0xffff;
	[tilespmem:s31+$0x30] =	vst v56  }
0x3c: {  	v62 =	vld.idx.msk [tilespmem:v0+s17+$0x10 ss:$0x1], $0xffff;
	s16 =	sadd.s32 $0x1, s16;
	[tilespmem:s31+$0xFFFFFFC0] =	vst v57  }
0x3d: {  	v63 =	vld.idx.msk [tilespmem:v0+s17+$0x20 ss:$0x1], $0xffff;
	p1 =	sne.s32 s16, $0x10;
	[tilespmem:s31+$0xFFFFFFD0] =	vst v58  }
.Ltmp4:
0x3e: {  	[tilespmem:s31+$0xFFFFFFE0] =	vst v59;
	(pc) =	sbr.rel @p1 .LBB1_3-.Ltmp4, $4  }
0x3f: {  	[tilespmem:s31+$0xFFFFFFF0] =	vst v60  }
0x40: {  	[tilespmem:s31+$0x0] =	vst v61  }
0x41: {  	[tilespmem:s31+$0x10] =	vst v62  }
0x42: {  	s13 =	sadd.s32 $0x80, s13;
	s15 =	sadd.s32 $0x400, s15;
	[tilespmem:s31+$0x20] =	vst v63  }
.Ltmp5:
0x43: {  	(pc) =	sbr.rel .LBB1_7-.Ltmp5, $4  }
0x44: {  	s12 =	sshll.u32 s12, $0xC;
	s11 =	sshll.u32 s11, $0x4  }
0x45: {  	s11 =	sand.u32 $0x1F0, s11;
	s12 =	sadd.s32 s3, s12  }
0x46: {  	s11 =	sadd.s32 s11, s12  }
0x47: {  	[hbm4b:s11+s6] =	stream.strided.scatter [tilespmem:s14], [sflag:$0x2], $0x4000, s7, s6, $0x38;
	[tilespmem:$0x10000] =	vst v63  }
.LBB1_8:
0x48: {  	_ =	sfence.sel $0x180000  }
0x49: {  	s2 =	simm.s32 $0x1;
	[bflag:$0x0] =	sbarrier.arrive $0xFFFF  }
0x4a: {  	s31 =	simm.s32 $0x2;
	[sflag:s2] =	ssyncpa.u1 $0x1  }
0x4b: {  	[sflag:s31] =	ssyncpa.u1 $0x1  }
0x4c: {  	p0 =	sne.s32 s1, $0x0;
	_ =	strace $0x9000004A  }
0x4d: {  	s0 =	sadd.s32 @!p0 $0x100000, s0;
	[bflag:$0x2] =	sbarrier.arrive $0xFFFF  }
0x4e: {  	[sflag:s0] =	ssyncadd.tile.s32 @!p0 $0x1;
	_ =	shalt  }
.Lfunc_end1:
_tile_overlayer_lowered:
.L_overlay_start_2:
0x4f: {  	(tag) =	ssettag $0x2  }
0x50: {  	s0 =	rddreg [dreg:$0x0];
	s2 =	stileid.u32  }
0x51: {  	s1 =	rddreg [dreg:$0x1];
	p0 =	sne.s32 s2, $0x0  }
0x52: {  	s3 =	rddreg [dreg:$0x2];
	[bflag:$0x3] =	sbarrier.arrive $0xFFFF;
	s2 =	simm.s32 @!p0 $0x1C01  }
0x53: {  	[timem:s3], [sflag:s2] =	dma.local @!p0 [hbm:s0], s1  }
0x54: {  	s0 =	simm.s32 @!p0 $0x1  }
0x55: {  	_ =	swait.ge @!p0 [sflag:s0], s1  }
0x56: {  	s1 =	ssub.s32 @!p0 $0x0, s1;
	[sflag:s0] =	ssyncset.done @!p0 $0x0  }
0x57: {  	[sflag:s0] =	ssyncadd.s32 @!p0 s1  }
0x58: {  	[bflag:$0x3] =	sbarrier.arrive $0xFFFF  }
0x59: {  	_ =	shalt  }

// kernel: sparse-core-data-format-call.cloned.1.call-start
scs
called_computation_lowered:
.L_overlay_start_0:
0x0: {  	s2 =	sld [smem:$0x3FD9]  }
0x1: {  	s3 =	sld [smem:$0x3FFE];
	_ =	sdelay $0x1  }
0x2: {  	s1 =	srdreg.scid  }
0x3: {  	s0 =	sand.u32 $0x1, s1  }
0x4: {  	s18 =	sshll.u32 s0, $0xA;
	s2 =	sadd.s32 s3, s2  }
0x5: {  	s2 =	sadd.s32 s2, s18  }
0x6: {  	[smem:$0x3FC6] =	sst s2  }
0x7: {  	_ = 	snop  }
0x8: {  	s2 =	sld [smem:$0x3FC8];
	(tm) =	ssettm $0x1  }
0x9: {  	s19 =	sld [smem:$0x3FFB];
	_ =	sdelay $0x3  }
0xa: {  	_ =	strace s19  }
0xb: {  	s3 =	sld [smem:$0x3FFC];
	_ =	sdelay $0x3  }
0xc: {  	_ =	strace s3  }
0xd: {  	s3 =	sld [smem:$0x3FFD];
	_ =	sdelay $0x3  }
0xe: {  	_ =	strace s3  }
0xf: {  	_ =	strace $0x8FFFFFFF  }
0x10: {  	s20 =	sld [smem:$0x3FDB];
	_ =	sdelay $0x1  }
0x11: {  	s4 =	simm.s32 $_scs_section_size  }
0x12: {  	s5 =	simm.s32 $_size__tile_overlayer_lowered;
	s6 =	simm.s32 $_tile_overlayer_lowered  }
0x13: {  	s23 =	simm.s32 $0x1BFF;
	s22 =	sshll.u32 s6, $0x1;
	s3 =	sadd.s32 s4, s20  }
0x14: {  	s7 =	simm.s32 $0x0;
	s21 =	sshll.u32 s5, $0x1;
	s5 =	sadd.s32 s22, s3  }
0x15: {  	[timem:s7], [sflag:s23] =	dma.local [hbm:s5], s21  }
0x16: {  	_ =	swait.ge [sflag:s23], s21  }
0x17: {  	s4 =	ssub.s32 $0x0, s21;
	[sflag:s23] =	ssyncset.done $0x0  }
0x18: {  	[sflag:s23] =	ssyncadd.s32 s4;
	_ =	sdelay $0x1  }
0x19: {  	s24 =	simm.s32 $0x1B8B  }
0x1a: {  	_ =	swait.ge [sflag:s24], $0x1  }
0x1b: {  	[sflag:s24] =	ssyncset.done $0x0  }
0x1c: {  	s26 =	simm.s32 $0x1B8E;
	s25 =	sld [smem:$0x3FFE];
	[sflag:s24] =	ssyncadd.s32 $0xFFFFFFFF  }
0x1d: {  	s27 =	simm.s32 $execute0_lowered;
	[smem:$0x3FD2] =	sst s26  }
0x1e: {  	s5 =	sshll.u32 s27, $0x1;
	_ =	strace $0x80000046;
	[dreg:$0x1] =	wrdreg $0xFFFFFFFF  }
0x1f: {  	s28 =	simm.s32 $_size_execute0_lowered;
	s3 =	sadd.s32 s3, s5;
	[dreg:$0x0] =	wrdreg $0x0  }
0x20: {  	s5 =	sshll.u32 s28, $0x1;
	[dreg:$0x2] =	wrdreg s3  }
0x21: {  	[dreg:$0x3] =	wrdreg s5  }
0x22: {  	[dreg:$0x4] =	wrdreg $0xC0  }
0x23: {  	_ =	task [dreg:s7], $0x5FFFF  }
0x24: {  	[dreg:$0x1] =	wrdreg $0xFFFFFFFF  }
0x25: {  	[dreg:$0x0] =	wrdreg $0x60  }
0x26: {  	[dreg:$0x2] =	wrdreg s2  }
0x27: {  	[dreg:$0x3] =	wrdreg s25  }
0x28: {  	[dreg:$0x4] =	wrdreg $0x9  }
0x29: {  	_ =	task.clear_ibuf [dreg:s7], $0x5FFFF;
	_ =	strace $0x90000046  }
0x2a: {  	s29 =	simm.s32 $0x9;
	_ =	strace $0x80000048  }
0x2b: {  	_ =	swait.ge [sflag:s29], $0x1  }
0x2c: {  	[sflag:s29] =	ssyncadd.s32 $0xFFFFFFFF  }
0x2d: {  	_ =	strace $0x90000048  }
0x2e: {  	_ =	sfence  }
0x2f: {  	s30 =	sld [smem:$0x0];
	_ =	sdelay $0x2  }
0x30: {  	s31 =	sshll.u32 s1, $0xD;
	s1 =	sshrl.u32 s1, $0x2  }
0x31: {  	s3 =	sand.u32 $0x4000, s31;
	s1 =	sadd.s32 s1, s30  }
0x32: {  	s0 =	sor.u32 s3, s0;
	s1 =	sshll.u32 s1, $0x11  }
0x33: {  	s0 =	sor.u32 s1, s0  }
0x34: {  	s0 =	sadd.s32 $0x8F2B, s0  }
0x35: {  	[sflag:s0] =	ssyncadd.remote.s32 $0x1  }
0x36: {  	_ =	sfence.sel $0xFFFF  }
0x37: {  	[dreg:$0x0] =	wrdreg $0xFFFFFFFF;
	(pc) =	sbr.abs _section_cstart, $3  }
0x38: {  	[dreg:$0x1] =	wrdreg $0xFFFFFFFF  }
0x39: {  	_ =	task.clear_ibuf [dreg:s7], $0x2FFFF;
	_ =	strace $0x9FFFFFFF  }
0x3a: {  	(tm) =	ssettm $0x7FFFFFFF  }
0x3b: {  	_ =	shalt  }
tec
execute0_lowered:
.L_overlay_start_1:
0x0: {  	(tag) =	ssettag $0x1  }
0x1: {  	s2 =	rddreg [dreg:$0x0]  }
0x2: {  	s1 =	rddreg [dreg:$0x1]  }
0x3: {  	s0 =	rddreg [dreg:$0x2];
	_ =	strace $0x80000047;
	s4 =	srdreg.scid  }
0x4: {  	s6 =	simm.s32 $0x2;
	s11 =	simm.s32 $0x0;
	p0 =	por $0x0, $0x0  }
.Ltmp0:
0x5: {  	s7 =	simm.s32 $0x1000;
	s12 =	simm.s32 $0x0;
	(pc) =	sbr.rel .LBB1_1-.Ltmp0, $4  }
0x6: {  	s9 =	simm.s32 $0x0;
	s3 =	sadd.s32 $0xC00, s1;
	s5 =	sshll.u32 s4, $0x4  }
0x7: {  	s1 =	stileid.u32;
	s4 =	simm.s32 $0x1;
	s5 =	sand.u32 $0x10, s5  }
0x8: {  	s8 =	simm.s32 $0x0;
	[sflag:s4] =	ssyncpa.u1 $0x0;
	s5 =	sor.u32 s1, s5  }
0x9: {  	[sflag:s6] =	ssyncpa.u1 $0x0;
	s6 =	simm.s32 $0x800;
	s10 =	smov.u32 s5  }
.LBB1_7:
0xa: {  	s13 =	sadd.s32 $0x10, s9  }
0xb: {  	s11 =	sadd.s32 $0x20, s10;
	s15 =	smov.u32 s10;
	p2 =	sgt.s32 s13, $0x1F  }
0xc: {  	p1 =	slt.u32 s8, $0x2;
	s15 =	smov.u32 @p2 s11  }
0xd: {  	s8 =	sadd.s32 $0x1, s8;
	s13 =	simm.s32 @p2 $0x0;
	p2 =	sgt.s32 s15, $0xFF  }
0xe: {  	s15 =	smov.u32 @p2 s5;
	p2 =	sne.s32 s8, $0x12  }
.Ltmp1:
0xf: {  	_ = 	snop;
	(pc) =	sbr.rel @!p2 .LBB1_8-.Ltmp1, $4  }
0x10: {  	s14 =	simm.s32 @!p1 $0x2  }
0x11: {  	s12 =	smov.u32 s10;
	_ =	swait.ge @!p1 [sflag:s14], $0x4000  }
0x12: {  	p0 =	por !p0, !p0;
	s11 =	smov.u32 s9;
	[sflag:s14] =	ssyncset.done @!p1 $0x0  }
0x13: {  	s9 =	smov.u32 s13;
	[sflag:s14] =	ssyncadd.s32 @!p1 $0xFFFFC000;
	s10 =	smov.u32 s15  }
.LBB1_1:
0x14: {  	p1 =	sgt.u32 s8, $0xF  }
0x15: {  	s13 =	sxor.u32 @!p1 $0xFFFFFFFF, s8;
	s14 =	sshll.u32 @!p1 s10, $0xC  }
0x16: {  	s15 =	sshll.u32 @!p1 s9, $0x7;
	s13 =	sshll.u32 @!p1 s13, $0xE;
	s14 =	sadd.s32 @!p1 s2, s14  }
0x17: {  	s13 =	sand.u32 @!p1 $0x4000, s13;
	s14 =	sadd.s32 @!p1 s15, s14;
	s15 =	simm.s32 @!p1 $0x0  }
0x18: {  	[tilespmem:s13], [sflag:$0x1] =	stream.linear.gather @!p1 [hbm4b:s14+s15], $0x4000, $0x38;
	[tilespmem:$0x10000] =	vst v63  }
0x19: {  	p1 =	seq.s32 s8, $0x0  }
0x1a: {  	p2 =	seq.s32 @!p1 s8, $0x11  }
0x1b: {  	p1 =	por p1, p2  }
.Ltmp2:
0x1c: {  	_ = 	snop;
	(pc) =	sbr.rel @p1 .LBB1_7-.Ltmp2, $1  }
0x1d: {  	_ =	sdelay $0x3  }
0x1e: {  	s13 =	simm.s32 $0x1;
	_ =	swait.ge [sflag:s4], $0x4000;
	s16 =	sshll.u32 s8, $0xE  }
0x1f: {  	s13 =	simm.s32 @!p0 $0x0;
	[sflag:s4] =	ssyncset.done $0x0;
	s31 =	sand.u32 $0x4000, s16  }
0x20: {  	s16 =	simm.s32 $0x0;
	s14 =	sshll.u32 s13, $0xE;
	[sflag:s4] =	ssyncadd.s32 $0xFFFFC000  }
0x21: {  	s13 =	sor.u32 $0x8040, s14;
	s15 =	sor.u32 $0x40, s14;
	s14 =	sor.u32 $0x8000, s31  }
.LBB1_3:
0x22: {  	v0 =	vmov s15;
	_ =	sdelay $0x3  }
0x23: {  	s18 =	simm.s32 $0x0  }
0x24: {  	v6 =	vld.idx.msk [tilespmem:v0+s18+$0x30 ss:$0x1], $0xffff  }
0x25: {  	v7 =	vld.idx.msk [tilespmem:v0+s18+$0xFFFFFFC0 ss:$0x1], $0xffff  }
0x26: {  	v5 =	vld.idx.msk [tilespmem:v0+s18+$0xFFFFFFD0 ss:$0x1], $0xffff  }
0x27: {  	v4 =	vld.idx.msk [tilespmem:v0+s18+$0xFFFFFFE0 ss:$0x1], $0xffff  }
0x28: {  	v3 =	vld.idx.msk [tilespmem:v0+s18+$0xFFFFFFF0 ss:$0x1], $0xffff  }
0x29: {  	v1 =	vld.idx.msk [tilespmem:v0+s18+$0x0 ss:$0x1], $0xffff  }
0x2a: {  	v2 =	vld.idx.msk [tilespmem:v0+s18+$0x10 ss:$0x1], $0xffff;
	[tilespmem:s13+$0x30] =	vst v6  }
0x2b: {  	s17 =	simm.s32 $0x80;
	s19 =	simm.s32 $0x400;
	[tilespmem:s13+$0xFFFFFFC0] =	vst v7;
	v6 =	vld.idx.msk [tilespmem:v0+s18+$0x20 ss:$0x1], $0xffff;
	s18 =	smov.u32 s13  }
.LBB1_4:
0x2c: {  	p1 =	sne.s32 s19, $0xE00;
	v7 =	vld.idx.msk [tilespmem:v0+s17+$0x30 ss:$0x1], $0xffff;
	[tilespmem:s18+$0xFFFFFFD0] =	vst v5  }
0x2d: {  	v8 =	vld.idx.msk [tilespmem:v0+s17+$0xFFFFFFC0 ss:$0x1], $0xffff;
	[tilespmem:s18+$0xFFFFFFE0] =	vst v4  }
0x2e: {  	v5 =	vld.idx.msk [tilespmem:v0+s17+$0xFFFFFFD0 ss:$0x1], $0xffff;
	[tilespmem:s18+$0xFFFFFFF0] =	vst v3  }
.Ltmp3:
0x2f: {  	v4 =	vld.idx.msk [tilespmem:v0+s17+$0xFFFFFFE0 ss:$0x1], $0xffff;
	[tilespmem:s18+$0x0] =	vst v1;
	(pc) =	sbr.rel @p1 .LBB1_4-.Ltmp3, $4  }
0x30: {  	v3 =	vld.idx.msk [tilespmem:v0+s17+$0xFFFFFFF0 ss:$0x1], $0xffff;
	[tilespmem:s18+$0x10] =	vst v2  }
0x31: {  	v1 =	vld.idx.msk [tilespmem:v0+s17+$0x0 ss:$0x1], $0xffff;
	[tilespmem:s18+$0x20] =	vst v6;
	s18 =	sadd.s32 $0x800, s18  }
0x32: {  	v2 =	vld.idx.msk [tilespmem:v0+s17+$0x10 ss:$0x1], $0xffff;
	[tilespmem:s18+$0x30] =	vst v7  }
0x33: {  	[tilespmem:s18+$0xFFFFFFC0] =	vst v8;
	v6 =	vld.idx.msk [tilespmem:v0+s17+$0x20 ss:$0x1], $0xffff;
	s17 =	sshra.s32 s19, $0x2;
	s19 =	sadd.s32 $0x200, s19  }
0x34: {  	_ =	sdelay $0x2  }
0x35: {  	[tilespmem:s18+$0xFFFFFFD0] =	vst v5  }
0x36: {  	v56 =	vld.idx.msk [tilespmem:v0+s17+$0x30 ss:$0x1], $0xffff;
	[tilespmem:s18+$0xFFFFFFE0] =	vst v4  }
0x37: {  	v57 =	vld.idx.msk [tilespmem:v0+s17+$0xFFFFFFC0 ss:$0x1], $0xffff;
	[tilespmem:s18+$0xFFFFFFF0] =	vst v3  }
0x38: {  	v58 =	vld.idx.msk [tilespmem:v0+s17+$0xFFFFFFD0 ss:$0x1], $0xffff;
	[tilespmem:s18+$0x0] =	vst v1  }
0x39: {  	v59 =	vld.idx.msk [tilespmem:v0+s17+$0xFFFFFFE0 ss:$0x1], $0xffff;
	[tilespmem:s18+$0x10] =	vst v2  }
0x3a: {  	v60 =	vld.idx.msk [tilespmem:v0+s17+$0xFFFFFFF0 ss:$0x1], $0xffff;
	s31 =	sadd.s32 $0x800, s18;
	[tilespmem:s18+$0x20] =	vst v6  }
0x3b: {  	v61 =	vld.idx.msk [tilespmem:v0+s17+$0x0 ss:$0x1], $0xffff;
	[tilespmem:s31+$0x30] =	vst v56  }
0x3c: {  	v62 =	vld.idx.msk [tilespmem:v0+s17+$0x10 ss:$0x1], $0xffff;
	s16 =	sadd.s32 $0x1, s16;
	[tilespmem:s31+$0xFFFFFFC0] =	vst v57  }
0x3d: {  	v63 =	vld.idx.msk [tilespmem:v0+s17+$0x20 ss:$0x1], $0xffff;
	p1 =	sne.s32 s16, $0x10;
	[tilespmem:s31+$0xFFFFFFD0] =	vst v58  }
.Ltmp4:
0x3e: {  	[tilespmem:s31+$0xFFFFFFE0] =	vst v59;
	(pc) =	sbr.rel @p1 .LBB1_3-.Ltmp4, $4  }
0x3f: {  	[tilespmem:s31+$0xFFFFFFF0] =	vst v60  }
0x40: {  	[tilespmem:s31+$0x0] =	vst v61  }
0x41: {  	[tilespmem:s31+$0x10] =	vst v62  }
0x42: {  	s13 =	sadd.s32 $0x80, s13;
	s15 =	sadd.s32 $0x400, s15;
	[tilespmem:s31+$0x20] =	vst v63  }
.Ltmp5:
0x43: {  	(pc) =	sbr.rel .LBB1_7-.Ltmp5, $4  }
0x44: {  	s12 =	sshll.u32 s12, $0xC;
	s11 =	sshll.u32 s11, $0x4  }
0x45: {  	s11 =	sand.u32 $0x1F0, s11;
	s12 =	sadd.s32 s3, s12  }
0x46: {  	s11 =	sadd.s32 s11, s12  }
0x47: {  	[hbm4b:s11+s6] =	stream.strided.scatter [tilespmem:s14], [sflag:$0x2], $0x4000, s7, s6, $0x38;
	[tilespmem:$0x10000] =	vst v63  }
.LBB1_8:
0x48: {  	_ =	sfence.sel $0x180000  }
0x49: {  	s2 =	simm.s32 $0x1;
	[bflag:$0x0] =	sbarrier.arrive $0xFFFF  }
0x4a: {  	s31 =	simm.s32 $0x2;
	[sflag:s2] =	ssyncpa.u1 $0x1  }
0x4b: {  	[sflag:s31] =	ssyncpa.u1 $0x1  }
0x4c: {  	p0 =	sne.s32 s1, $0x0;
	_ =	strace $0x90000047  }
0x4d: {  	s0 =	sadd.s32 @!p0 $0x100000, s0;
	[bflag:$0x2] =	sbarrier.arrive $0xFFFF  }
0x4e: {  	[sflag:s0] =	ssyncadd.tile.s32 @!p0 $0x1;
	_ =	shalt  }
.Lfunc_end1:
_tile_overlayer_lowered:
.L_overlay_start_2:
0x4f: {  	(tag) =	ssettag $0x2  }
0x50: {  	s0 =	rddreg [dreg:$0x0];
	s2 =	stileid.u32  }
0x51: {  	s1 =	rddreg [dreg:$0x1];
	p0 =	sne.s32 s2, $0x0  }
0x52: {  	s3 =	rddreg [dreg:$0x2];
	[bflag:$0x3] =	sbarrier.arrive $0xFFFF;
	s2 =	simm.s32 @!p0 $0x1C01  }
0x53: {  	[timem:s3], [sflag:s2] =	dma.local @!p0 [hbm:s0], s1  }
0x54: {  	s0 =	simm.s32 @!p0 $0x1  }
0x55: {  	_ =	swait.ge @!p0 [sflag:s0], s1  }
0x56: {  	s1 =	ssub.s32 @!p0 $0x0, s1;
	[sflag:s0] =	ssyncset.done @!p0 $0x0  }
0x57: {  	[sflag:s0] =	ssyncadd.s32 @!p0 s1  }
0x58: {  	[bflag:$0x3] =	sbarrier.arrive $0xFFFF  }
0x59: {  	_ =	shalt  }

</sc_bundles>
